<compile_context>
chip_gen: v7x
topology: tpu7x:2x2x1
jax: 0.10.2.dev20260603
libtpu: 0.0.44.dev20260713+nightly
codegen_flags: <defaults>
</compile_context>

<pallas_src>
import functools

import jax
import jax.numpy as jnp
from jax import lax
from jax.experimental import pallas as pl
from jax.experimental.pallas import tpu as pltpu
from jax.experimental.pallas import tpu_sc as plsc

N = 10000
E = 320000
NUM_GRAPHS = 64

NC = 2
NS = 16
K = 128
EPAD = 4096 * 79
NPAD = 10240
RPT = NPAD // NS
DH = 128

_MESH = plsc.VectorSubcoreMesh(core_axis_name="c", subcore_axis_name="s")


def _make_agg(split_cores, CK):
    TPT = EPAD // (NC * NS) if split_cores else EPAD // NS
    TRIPS = TPT // CK
    PAIRS = TRIPS // 2

    @functools.partial(
        pl.kernel,
        out_type=jax.ShapeDtypeStruct((NC, NPAD, DH), jnp.float32),
        mesh=_MESH,
        scratch_types=[
            pltpu.VMEM((CK,), jnp.int32),
            pltpu.VMEM((CK,), jnp.int32),
            pltpu.VMEM((CK,), jnp.int32),
            pltpu.VMEM((CK,), jnp.int32),
            pltpu.VMEM((CK, DH), jnp.float32),
            pltpu.VMEM((CK, DH), jnp.float32),
            pltpu.VMEM_SHARED((NPAD, DH), jnp.float32),
            pltpu.SemaphoreType.DMA,
            pltpu.SemaphoreType.DMA,
        ],
    )
    def agg(h_hbm, src_hbm, dst_hbm, zero_hbm, out_hbm,
            idx_a, idx_b, dst_a, dst_b, stage_a, stage_b, acc_sh,
            sem_a, sem_b):
        cidx = lax.axis_index("c")
        sidx = lax.axis_index("s")

        rbase = sidx * RPT
        pltpu.sync_copy(zero_hbm.at[pl.ds(rbase, RPT)],
                        acc_sh.at[pl.ds(rbase, RPT)])
        plsc.subcore_barrier()

        if split_cores:
            ebase = (cidx * NS + sidx) * TPT
        else:
            ebase = sidx * TPT

        def issue(g, idx_v, stage, sem):
            e0 = jnp.minimum(ebase + g * CK, EPAD - CK)
            pltpu.sync_copy(src_hbm.at[cidx, pl.ds(e0, CK)], idx_v)
            pltpu.async_copy(h_hbm.at[idx_v], stage, sem)

        def drain(stage, sem):
            pltpu.make_async_copy(h_hbm.at[pl.ds(0, CK)], stage, sem).wait()

        def scatter(g, stage, dst_v):
            e0 = ebase + g * CK
            pltpu.sync_copy(dst_hbm.at[pl.ds(e0, CK)], dst_v)
            pltpu.sync_copy(stage, acc_sh.at[dst_v], add=True)

        issue(0, idx_a, stage_a, sem_a)
        issue(1, idx_b, stage_b, sem_b)

        def body(p, carry):
            g = 2 * p
            drain(stage_a, sem_a)
            scatter(g, stage_a, dst_a)
            issue(g + 2, idx_a, stage_a, sem_a)
            drain(stage_b, sem_b)
            scatter(g + 1, stage_b, dst_b)
            issue(g + 3, idx_b, stage_b, sem_b)
            return carry

        lax.fori_loop(0, PAIRS, body, 0)
        drain(stage_a, sem_a)
        if TRIPS % 2:
            scatter(TRIPS - 1, stage_a, dst_a)
        drain(stage_b, sem_b)

        plsc.subcore_barrier()

        pltpu.sync_copy(acc_sh.at[pl.ds(rbase, RPT)],
                        out_hbm.at[cidx, pl.ds(rbase, RPT)])

    return agg


_agg_split = _make_agg(True, 128)
_agg_cols = _make_agg(False, 128)


R = 400
GRID = N // R


def _acc_stats(y, s_ref):
    @pl.when(pl.program_id(0) == 0)
    def _():
        s_ref[...] = jnp.zeros_like(s_ref)

    s_ref[0:1, :] += jnp.sum(y, axis=0, keepdims=True)
    s_ref[1:2, :] += jnp.sum(y * y, axis=0, keepdims=True)


_PREC = lax.Precision.HIGHEST


def _mm1_body(x_ref, a_ref, w_ref, b_ref, y_ref, s_ref):
    s = x_ref[...] + a_ref[0] + a_ref[1]
    y = jnp.dot(s, w_ref[...], preferred_element_type=jnp.float32) + b_ref[...]
    y_ref[...] = y
    _acc_stats(y, s_ref)


def _mmstats1(x, agg, W, b):
    Din, Dout = W.shape
    return pl.pallas_call(
        _mm1_body,
        grid=(GRID,),
        in_specs=[
            pl.BlockSpec((R, Din), lambda i: (i, 0)),
            pl.BlockSpec((NC, R, Din), lambda i: (0, i, 0)),
            pl.BlockSpec((Din, Dout), lambda i: (0, 0)),
            pl.BlockSpec((1, Dout), lambda i: (0, 0)),
        ],
        out_specs=[
            pl.BlockSpec((R, Dout), lambda i: (i, 0)),
            pl.BlockSpec((2, Dout), lambda i: (0, 0)),
        ],
        out_shape=[
            jax.ShapeDtypeStruct((N, Dout), jnp.float32),
            jax.ShapeDtypeStruct((2, Dout), jnp.float32),
        ],
    )(x, agg, W, b.reshape(1, Dout))


def _mm23_body(h_ref, a_ref, w_ref, b_ref, y_ref, s_ref):
    s0 = h_ref[0] + a_ref[0]
    s1 = h_ref[1] + a_ref[1]
    y = (jnp.dot(s0, w_ref[0:DH, :], preferred_element_type=jnp.float32)
         + jnp.dot(s1, w_ref[DH:2 * DH, :], preferred_element_type=jnp.float32)
         + b_ref[...])
    y_ref[...] = y
    _acc_stats(y, s_ref)


def _mmstats23(h, agg, W, b):
    Dout = W.shape[1]
    return pl.pallas_call(
        _mm23_body,
        grid=(GRID,),
        in_specs=[
            pl.BlockSpec((NC, R, DH), lambda i: (0, i, 0)),
            pl.BlockSpec((NC, R, DH), lambda i: (0, i, 0)),
            pl.BlockSpec((2 * DH, Dout), lambda i: (0, 0)),
            pl.BlockSpec((1, Dout), lambda i: (0, 0)),
        ],
        out_specs=[
            pl.BlockSpec((R, Dout), lambda i: (i, 0)),
            pl.BlockSpec((2, Dout), lambda i: (0, 0)),
        ],
        out_shape=[
            jax.ShapeDtypeStruct((N, Dout), jnp.float32),
            jax.ShapeDtypeStruct((2, Dout), jnp.float32),
        ],
    )(h, agg, W, b.reshape(1, Dout))


def _bn_from_stats(s_ref, y):
    m = s_ref[0:1, :] / N
    v = s_ref[1:2, :] / N - m * m
    r = lax.rsqrt(v + 1e-5)
    return (y - m) * r


def _bnrelu_body(y_ref, s_ref, g_ref, be_ref, h_ref):
    h = _bn_from_stats(s_ref, y_ref[...]) * g_ref[...] + be_ref[...]
    h = jnp.maximum(h, 0.0)
    h_ref[0] = h[:, 0:DH]
    h_ref[1] = h[:, DH:2 * DH]


def _bnrelu(y, s, g, be):
    Dout = y.shape[1]
    return pl.pallas_call(
        _bnrelu_body,
        grid=(GRID,),
        in_specs=[
            pl.BlockSpec((R, Dout), lambda i: (i, 0)),
            pl.BlockSpec((2, Dout), lambda i: (0, 0)),
            pl.BlockSpec((1, Dout), lambda i: (0, 0)),
            pl.BlockSpec((1, Dout), lambda i: (0, 0)),
        ],
        out_specs=pl.BlockSpec((NC, R, DH), lambda i: (0, i, 0)),
        out_shape=jax.ShapeDtypeStruct((NC, N, DH), jnp.float32),
    )(y, s, g.reshape(1, Dout), be.reshape(1, Dout))


def _pool_body(y_ref, s_ref, g_ref, be_ref, b_ref, hg_ref):
    h = _bn_from_stats(s_ref, y_ref[...]) * g_ref[...] + be_ref[...]
    h = jnp.maximum(h, 0.0)
    bb = b_ref[0]
    gids = lax.broadcasted_iota(jnp.int32, (NUM_GRAPHS, R), 0)
    oh = (bb == gids).astype(jnp.float32)

    @pl.when(pl.program_id(0) == 0)
    def _():
        hg_ref[...] = jnp.zeros_like(hg_ref)

    hg_ref[...] += jnp.dot(oh, h, precision=_PREC,
                           preferred_element_type=jnp.float32)


def _pool(y, s, g, be, batch3d):
    Dout = y.shape[1]
    return pl.pallas_call(
        _pool_body,
        grid=(GRID,),
        in_specs=[
            pl.BlockSpec((R, Dout), lambda i: (i, 0)),
            pl.BlockSpec((2, Dout), lambda i: (0, 0)),
            pl.BlockSpec((1, Dout), lambda i: (0, 0)),
            pl.BlockSpec((1, Dout), lambda i: (0, 0)),
            pl.BlockSpec((1, 1, R), lambda i: (i, 0, 0)),
        ],
        out_specs=pl.BlockSpec((NUM_GRAPHS, Dout), lambda i: (0, 0)),
        out_shape=jax.ShapeDtypeStruct((NUM_GRAPHS, Dout), jnp.float32),
    )(y, s, g.reshape(1, Dout), be.reshape(1, Dout), batch3d)


def _softplus(x):
    return jnp.maximum(x, 0.0) + jnp.log1p(jnp.exp(-jnp.abs(x)))


def _head_body(hg_ref, w2_ref, b2_ref, g4_ref, be4_ref, w3_ref, b3_ref, o_ref):
    sp = _softplus(hg_ref[...])
    z = jnp.dot(sp, w2_ref[...], preferred_element_type=jnp.float32) + b2_ref[...]
    m = jnp.mean(z, axis=0, keepdims=True)
    v = jnp.mean(z * z, axis=0, keepdims=True) - m * m
    z = (z - m) * lax.rsqrt(v + 1e-5) * g4_ref[...] + be4_ref[...]
    z = _softplus(z)
    o = jnp.dot(z, w3_ref[...], preferred_element_type=jnp.float32) + b3_ref[...]
    nrm = jnp.maximum(jnp.sqrt(jnp.sum(o * o, axis=1, keepdims=True)), 1e-12)
    o_ref[...] = o / nrm


def _head(hg, Wf2, bf2, g4, be4, Wf3, bf3):
    Dh, Dfc = Wf2.shape
    Dout = Wf3.shape[1]
    return pl.pallas_call(
        _head_body,
        in_specs=[
            pl.BlockSpec((NUM_GRAPHS, Dh), lambda: (0, 0)),
            pl.BlockSpec((Dh, Dfc), lambda: (0, 0)),
            pl.BlockSpec((1, Dfc), lambda: (0, 0)),
            pl.BlockSpec((1, Dfc), lambda: (0, 0)),
            pl.BlockSpec((1, Dfc), lambda: (0, 0)),
            pl.BlockSpec((Dfc, Dout), lambda: (0, 0)),
            pl.BlockSpec((1, Dout), lambda: (0, 0)),
        ],
        out_specs=pl.BlockSpec((NUM_GRAPHS, Dout), lambda: (0, 0)),
        out_shape=jax.ShapeDtypeStruct((NUM_GRAPHS, Dout), jnp.float32),
    )(hg, Wf2, bf2.reshape(1, Dfc), g4.reshape(1, Dfc), be4.reshape(1, Dfc),
      Wf3, bf3.reshape(1, Dout))


def kernel(x, edge_index, batch, W1, b1, g1, be1, W2, b2, g2, be2,
           W3, b3, g3, be3, Wf2, bf2, g4, be4, Wf3, bf3):
    src = edge_index[0]
    dst = edge_index[1]
    npadding = EPAD - E
    src_pad = jnp.concatenate([src, jnp.zeros((npadding,), jnp.int32)])
    dst_pad = jnp.concatenate([dst, jnp.full((npadding,), N, jnp.int32)])
    srcA = jnp.stack([src_pad, src_pad])
    srcB = jnp.stack([src_pad, src_pad + N])
    zeros = jnp.zeros((NPAD, DH), jnp.float32)
    batch3d = batch.reshape(GRID, 1, R)

    p = _agg_split(x, srcA, dst_pad, zeros)
    y, s = _mmstats1(x, p, W1, b1)
    h = _bnrelu(y, s, g1, be1)

    a = _agg_cols(h.reshape(NC * N, DH), srcB, dst_pad, zeros)
    y, s = _mmstats23(h, a, W2, b2)
    h = _bnrelu(y, s, g2, be2)

    a = _agg_cols(h.reshape(NC * N, DH), srcB, dst_pad, zeros)
    y, s = _mmstats23(h, a, W3, b3)
    hg = _pool(y, s, g3, be3, batch3d)

    return _head(hg, Wf2, bf2, g4, be4, Wf3, bf3)

# --- scband reference (transcript-rebuilt; emitter-appended) ---
"""Pipeline reference for scband-gin-83777632075940 (READ-ONLY COPY).

The authoritative reference and input builder live on the scoring server;
editing this copy changes nothing except your own understanding.
"""

import jax, jax.numpy as jnp
import numpy as np

N = 10000
E = 320000
D_IN = 128
D_H = 256
D_FC = 196
D_OUT = 128
NUM_GRAPHS = 64


def _bn(x, g, b):
    m = jnp.mean(x, axis=0)
    v = jnp.var(x, axis=0)
    return (x - m) / jnp.sqrt(v + 1e-5) * g + b


def _gin_conv(x, src, dst, W, b):
    # GINConv with default eps=0: nn((1+eps)*x + sum_{j in N(i)} x_j)
    agg = jax.ops.segment_sum(x[src], dst, num_segments=x.shape[0])
    return (x + agg) @ W + b


def setup_inputs(seed: int = 0):
    key = jax.random.key(seed)
    ks = jax.random.split(key, 10)
    x = jax.random.normal(ks[0], (N, D_IN), dtype=jnp.float32)
    edge_index = jax.random.randint(ks[1], (2, E), 0, N, dtype=jnp.int32)
    batch = jnp.sort(jax.random.randint(ks[2], (N,), 0, NUM_GRAPHS, dtype=jnp.int32))

    def lin(k, fi, fo):
        return jax.random.normal(k, (fi, fo), dtype=jnp.float32) * (1.0 / np.sqrt(fi))

    return {
        "x": x, "edge_index": edge_index, "batch": batch,
        "W1": lin(ks[3], D_IN, D_H), "b1": jnp.zeros((D_H,), jnp.float32),
        "g1": jnp.ones((D_H,), jnp.float32), "be1": jnp.zeros((D_H,), jnp.float32),
        "W2": lin(ks[4], D_H, D_H), "b2": jnp.zeros((D_H,), jnp.float32),
        "g2": jnp.ones((D_H,), jnp.float32), "be2": jnp.zeros((D_H,), jnp.float32),
        "W3": lin(ks[5], D_H, D_H), "b3": jnp.zeros((D_H,), jnp.float32),
        "g3": jnp.ones((D_H,), jnp.float32), "be3": jnp.zeros((D_H,), jnp.float32),
        "Wf2": lin(ks[6], D_H, D_FC), "bf2": jnp.zeros((D_FC,), jnp.float32),
        "g4": jnp.ones((D_FC,), jnp.float32), "be4": jnp.zeros((D_FC,), jnp.float32),
        "Wf3": lin(ks[7], D_FC, D_OUT), "bf3": jnp.zeros((D_OUT,), jnp.float32),
    }


def reference(x, edge_index, batch, W1, b1, g1, be1, W2, b2, g2, be2, W3, b3, g3, be3, Wf2, bf2, g4, be4, Wf3, bf3):
    src, dst = edge_index[0], edge_index[1]
    h = jax.nn.relu(_bn(_gin_conv(x, src, dst, W1, b1), g1, be1))
    h = jax.nn.relu(_bn(_gin_conv(h, src, dst, W2, b2), g2, be2))
    h = jax.nn.relu(_bn(_gin_conv(h, src, dst, W3, b3), g3, be3))
    hg = jax.ops.segment_sum(h, batch, num_segments=NUM_GRAPHS)
    hg = jax.nn.softplus(hg)
    hg = jax.nn.softplus(_bn(hg @ Wf2 + bf2, g4, be4))
    hg = hg @ Wf3 + bf3
    norm = jnp.maximum(jnp.linalg.norm(hg, axis=1, keepdims=True), 1e-12)
    return hg / norm

if __name__ == "__main__":
    import jax
    _d = setup_inputs()
    print(jax.jit(kernel)(*tuple(_d.values())))

</pallas_src>

<mosaic_0001>
#map = affine_map<(d0, d1) -> (0, 0)>
#map1 = affine_map<(d0, d1) -> (0)>
#map2 = affine_map<(d0, d1) -> (0, 0, 0)>
module attributes {stable_mosaic.version = 14 : i64} {
  func.func @agg(%arg0: i32, %arg1: i32, %arg2: memref<10000x128xf32, #tpu.memory_space<hbm>>, %arg3: memref<2x323584xi32, #tpu.memory_space<hbm>>, %arg4: memref<323584xi32, #tpu.memory_space<hbm>>, %arg5: memref<10240x128xf32, #tpu.memory_space<hbm>>, %arg6: memref<2x10240x128xf32, #tpu.memory_space<hbm>>, %arg7: memref<128xi32, #tpu.memory_space<vmem>>, %arg8: memref<128xi32, #tpu.memory_space<vmem>>, %arg9: memref<128xi32, #tpu.memory_space<vmem>>, %arg10: memref<128xi32, #tpu.memory_space<vmem>>, %arg11: memref<128x128xf32, #tpu.memory_space<vmem>>, %arg12: memref<128x128xf32, #tpu.memory_space<vmem>>, %arg13: memref<10240x128xf32, #tpu.memory_space<vmem_shared>>, %arg14: memref<!tpu.dma_semaphore, #tpu.memory_space<semaphore_mem>>, %arg15: memref<!tpu.dma_semaphore, #tpu.memory_space<semaphore_mem>>) attributes {dimension_semantics = [#tpu.dimension_semantics<core_parallel>, #tpu.dimension_semantics<subcore_parallel>], iteration_bounds = array<i64: 2, 16>, scalar_prefetch = 0 : i64, scratch_operands = 9 : i64, tpu.core_type = #tpu.core_type<sc_vector_subcore>, window_params = [{transform_indices = #map}, {transform_indices = #map}, {transform_indices = #map1}, {transform_indices = #map}, {transform_indices = #map2}]} {
    %mul3A = arith.constant 640 : i32
    %mul3A_0 = arith.muli %arg1, %mul3A : i32
    "tpu.region"() ({
      %run_scoped3A = tpu.sem_alloc : memref<!tpu.dma_semaphore, #tpu.memory_space<semaphore_mem>>
      %dma_start3A_36 = arith.constant 0 : i32
      %dma_start3A_37 = tpu.memref_slice %arg13[%mul3A_0, %dma_start3A_36] : memref<10240x128xf32, #tpu.memory_space<vmem_shared>> -> memref<640x128xf32, #tpu.memory_space<vmem_shared>>
      %dma_start3A_38 = arith.constant 0 : i32
      %dma_start3A_39 = tpu.memref_slice %arg5[%mul3A_0, %dma_start3A_38] : memref<10240x128xf32, #tpu.memory_space<hbm>> -> memref<640x128xf32, #tpu.memory_space<hbm>>
      tpu.enqueue_dma source(%dma_start3A_39 : memref<640x128xf32, #tpu.memory_space<hbm>>) target(%dma_start3A_37 : memref<640x128xf32, #tpu.memory_space<vmem_shared>>) target_semaphore(%run_scoped3A : memref<!tpu.dma_semaphore, #tpu.memory_space<semaphore_mem>>)
      %dma_wait3A_40 = arith.constant 0 : i32
      %dma_wait3A_41 = tpu.memref_slice %arg13[%mul3A_0, %dma_wait3A_40] : memref<10240x128xf32, #tpu.memory_space<vmem_shared>> -> memref<640x128xf32, #tpu.memory_space<vmem_shared>>
      %dma_wait3A_42 = arith.constant 0 : i32
      %dma_wait3A_43 = tpu.memref_slice %arg5[%mul3A_0, %dma_wait3A_42] : memref<10240x128xf32, #tpu.memory_space<hbm>> -> memref<640x128xf32, #tpu.memory_space<hbm>>
      tpu.wait_dma2 semaphore(%run_scoped3A : memref<!tpu.dma_semaphore, #tpu.memory_space<semaphore_mem>>) src(%dma_wait3A_43 : memref<640x128xf32, #tpu.memory_space<hbm>>) dst(%dma_wait3A_41 : memref<640x128xf32, #tpu.memory_space<vmem_shared>>)
      tpu.yield
    }) : () -> ()
    %barrier3A = arith.constant 0 : index
    tpu.barrier barrier_id(%barrier3A)
    %mul3A_1 = arith.constant 16 : i32
    %mul3A_2 = arith.muli %arg0, %mul3A_1 : i32
    %add3A = arith.addi %mul3A_2, %arg1 : i32
    %mul3A_3 = arith.constant 10112 : i32
    %mul3A_4 = arith.muli %add3A, %mul3A_3 : i32
    %add3A_5 = arith.constant 0 : i32
    %add3A_6 = arith.addi %mul3A_4, %add3A_5 : i32
    %min3A = arith.constant 323456 : i32
    %min3A_7 = arith.minsi %add3A_6, %min3A : i32
    "tpu.region"() ({
      %run_scoped3A = tpu.sem_alloc : memref<!tpu.dma_semaphore, #tpu.memory_space<semaphore_mem>>
      %dma_start3A_36 = tpu.memref_slice %arg3[%arg0, %min3A_7] : memref<2x323584xi32, #tpu.memory_space<hbm>> -> memref<1x128xi32, #tpu.memory_space<hbm>>
      %dma_start3A_37 = tpu.memref_squeeze %dma_start3A_36 : memref<1x128xi32, #tpu.memory_space<hbm>> -> memref<128xi32, #tpu.memory_space<hbm>>
      %dma_start3A_38 = tpu.memref_slice %arg3[%arg0, %min3A_7] : memref<2x323584xi32, #tpu.memory_space<hbm>> -> memref<1x128xi32, #tpu.memory_space<hbm>>
      %dma_start3A_39 = tpu.memref_squeeze %dma_start3A_38 : memref<1x128xi32, #tpu.memory_space<hbm>> -> memref<128xi32, #tpu.memory_space<hbm>>
      tpu.enqueue_dma source(%dma_start3A_39 : memref<128xi32, #tpu.memory_space<hbm>>) target(%arg7 : memref<128xi32, #tpu.memory_space<vmem>>) target_semaphore(%run_scoped3A : memref<!tpu.dma_semaphore, #tpu.memory_space<semaphore_mem>>)
      %dma_wait3A_40 = tpu.memref_slice %arg3[%arg0, %min3A_7] : memref<2x323584xi32, #tpu.memory_space<hbm>> -> memref<1x128xi32, #tpu.memory_space<hbm>>
      %dma_wait3A_41 = tpu.memref_squeeze %dma_wait3A_40 : memref<1x128xi32, #tpu.memory_space<hbm>> -> memref<128xi32, #tpu.memory_space<hbm>>
      %dma_wait3A_42 = tpu.memref_slice %arg3[%arg0, %min3A_7] : memref<2x323584xi32, #tpu.memory_space<hbm>> -> memref<1x128xi32, #tpu.memory_space<hbm>>
      %dma_wait3A_43 = tpu.memref_squeeze %dma_wait3A_42 : memref<1x128xi32, #tpu.memory_space<hbm>> -> memref<128xi32, #tpu.memory_space<hbm>>
      tpu.wait_dma2 semaphore(%run_scoped3A : memref<!tpu.dma_semaphore, #tpu.memory_space<semaphore_mem>>) src(%dma_wait3A_43 : memref<128xi32, #tpu.memory_space<hbm>>) dst(%arg7 : memref<128xi32, #tpu.memory_space<vmem>>)
      tpu.yield
    }) : () -> ()
    %dma_start3A = arith.constant 0 : i32
    %dma_start3A_8 = arith.constant 0 : i32
    %dma_start3A_9 = tpu.memref_slice %arg2[%dma_start3A, %dma_start3A_8] : memref<10000x128xf32, #tpu.memory_space<hbm>> -> memref<10000x128xf32, #tpu.memory_space<hbm>>
    tpu.enqueue_indirect_dma source(%dma_start3A_9 : memref<10000x128xf32, #tpu.memory_space<hbm>>) target(%arg11 : memref<128x128xf32, #tpu.memory_space<vmem>>) offsets(%arg7 : memref<128xi32, #tpu.memory_space<vmem>>) semaphore(%arg14 : memref<!tpu.dma_semaphore, #tpu.memory_space<semaphore_mem>>)
    %add3A_10 = arith.constant 128 : i32
    %add3A_11 = arith.addi %mul3A_4, %add3A_10 : i32
    %min3A_12 = arith.constant 323456 : i32
    %min3A_13 = arith.minsi %add3A_11, %min3A_12 : i32
    "tpu.region"() ({
      %run_scoped3A = tpu.sem_alloc : memref<!tpu.dma_semaphore, #tpu.memory_space<semaphore_mem>>
      %dma_start3A_36 = tpu.memref_slice %arg3[%arg0, %min3A_13] : memref<2x323584xi32, #tpu.memory_space<hbm>> -> memref<1x128xi32, #tpu.memory_space<hbm>>
      %dma_start3A_37 = tpu.memref_squeeze %dma_start3A_36 : memref<1x128xi32, #tpu.memory_space<hbm>> -> memref<128xi32, #tpu.memory_space<hbm>>
      %dma_start3A_38 = tpu.memref_slice %arg3[%arg0, %min3A_13] : memref<2x323584xi32, #tpu.memory_space<hbm>> -> memref<1x128xi32, #tpu.memory_space<hbm>>
      %dma_start3A_39 = tpu.memref_squeeze %dma_start3A_38 : memref<1x128xi32, #tpu.memory_space<hbm>> -> memref<128xi32, #tpu.memory_space<hbm>>
      tpu.enqueue_dma source(%dma_start3A_39 : memref<128xi32, #tpu.memory_space<hbm>>) target(%arg8 : memref<128xi32, #tpu.memory_space<vmem>>) target_semaphore(%run_scoped3A : memref<!tpu.dma_semaphore, #tpu.memory_space<semaphore_mem>>)
      %dma_wait3A_40 = tpu.memref_slice %arg3[%arg0, %min3A_13] : memref<2x323584xi32, #tpu.memory_space<hbm>> -> memref<1x128xi32, #tpu.memory_space<hbm>>
      %dma_wait3A_41 = tpu.memref_squeeze %dma_wait3A_40 : memref<1x128xi32, #tpu.memory_space<hbm>> -> memref<128xi32, #tpu.memory_space<hbm>>
      %dma_wait3A_42 = tpu.memref_slice %arg3[%arg0, %min3A_13] : memref<2x323584xi32, #tpu.memory_space<hbm>> -> memref<1x128xi32, #tpu.memory_space<hbm>>
      %dma_wait3A_43 = tpu.memref_squeeze %dma_wait3A_42 : memref<1x128xi32, #tpu.memory_space<hbm>> -> memref<128xi32, #tpu.memory_space<hbm>>
      tpu.wait_dma2 semaphore(%run_scoped3A : memref<!tpu.dma_semaphore, #tpu.memory_space<semaphore_mem>>) src(%dma_wait3A_43 : memref<128xi32, #tpu.memory_space<hbm>>) dst(%arg8 : memref<128xi32, #tpu.memory_space<vmem>>)
      tpu.yield
    }) : () -> ()
    %dma_start3A_14 = arith.constant 0 : i32
    %dma_start3A_15 = arith.constant 0 : i32
    %dma_start3A_16 = tpu.memref_slice %arg2[%dma_start3A_14, %dma_start3A_15] : memref<10000x128xf32, #tpu.memory_space<hbm>> -> memref<10000x128xf32, #tpu.memory_space<hbm>>
    tpu.enqueue_indirect_dma source(%dma_start3A_16 : memref<10000x128xf32, #tpu.memory_space<hbm>>) target(%arg12 : memref<128x128xf32, #tpu.memory_space<vmem>>) offsets(%arg8 : memref<128xi32, #tpu.memory_space<vmem>>) semaphore(%arg15 : memref<!tpu.dma_semaphore, #tpu.memory_space<semaphore_mem>>)
    %scan3A = arith.constant 0 : i32
    %scan3A_17 = arith.constant 0 : i32
    %scan3A_18 = arith.constant 39 : i32
    %scan3A_19 = arith.addi %scan3A_17, %scan3A_18 : i32
    %scan3A_20 = arith.constant 1 : i32
    scf.for %scan3A_36 = %scan3A_17 to %scan3A_19 step %scan3A_20  : i32 {
      %mul3A_37 = arith.constant 2 : i32
      %mul3A_38 = arith.muli %mul3A_37, %scan3A_36 : i32
      %dma_wait3A_39 = arith.constant 0 : i32
      %dma_wait3A_40 = arith.constant 0 : i32
      %dma_wait3A_41 = tpu.memref_slice %arg2[%dma_wait3A_39, %dma_wait3A_40] : memref<10000x128xf32, #tpu.memory_space<hbm>> -> memref<128x128xf32, #tpu.memory_space<hbm>>
      %dma_wait3A_42 = arith.constant 0 : i32
      %dma_wait3A_43 = arith.constant 0 : i32
      %dma_wait3A_44 = tpu.memref_slice %arg2[%dma_wait3A_42, %dma_wait3A_43] : memref<10000x128xf32, #tpu.memory_space<hbm>> -> memref<128x128xf32, #tpu.memory_space<hbm>>
      tpu.wait_dma2 semaphore(%arg14 : memref<!tpu.dma_semaphore, #tpu.memory_space<semaphore_mem>>) src(%dma_wait3A_44 : memref<128x128xf32, #tpu.memory_space<hbm>>) dst(%arg11 : memref<128x128xf32, #tpu.memory_space<vmem>>)
      %mul3A_45 = arith.constant 128 : i32
      %mul3A_46 = arith.muli %mul3A_38, %mul3A_45 : i32
      %add3A_47 = arith.addi %mul3A_4, %mul3A_46 : i32
      "tpu.region"() ({
        %run_scoped3A = tpu.sem_alloc : memref<!tpu.dma_semaphore, #tpu.memory_space<semaphore_mem>>
        %dma_start3A_79 = tpu.memref_slice %arg4[%add3A_47] : memref<323584xi32, #tpu.memory_space<hbm>> -> memref<128xi32, #tpu.memory_space<hbm>>
        %dma_start3A_80 = tpu.memref_slice %arg4[%add3A_47] : memref<323584xi32, #tpu.memory_space<hbm>> -> memref<128xi32, #tpu.memory_space<hbm>>
        tpu.enqueue_dma source(%dma_start3A_80 : memref<128xi32, #tpu.memory_space<hbm>>) target(%arg9 : memref<128xi32, #tpu.memory_space<vmem>>) target_semaphore(%run_scoped3A : memref<!tpu.dma_semaphore, #tpu.memory_space<semaphore_mem>>)
        %dma_wait3A_81 = tpu.memref_slice %arg4[%add3A_47] : memref<323584xi32, #tpu.memory_space<hbm>> -> memref<128xi32, #tpu.memory_space<hbm>>
        %dma_wait3A_82 = tpu.memref_slice %arg4[%add3A_47] : memref<323584xi32, #tpu.memory_space<hbm>> -> memref<128xi32, #tpu.memory_space<hbm>>
        tpu.wait_dma2 semaphore(%run_scoped3A : memref<!tpu.dma_semaphore, #tpu.memory_space<semaphore_mem>>) src(%dma_wait3A_82 : memref<128xi32, #tpu.memory_space<hbm>>) dst(%arg9 : memref<128xi32, #tpu.memory_space<vmem>>)
        tpu.yield
      }) : () -> ()
      "tpu.region"() ({
        %run_scoped3A = tpu.sem_alloc : memref<!tpu.dma_semaphore, #tpu.memory_space<semaphore_mem>>
        %dma_start3A_79 = arith.constant 0 : i32
        %dma_start3A_80 = arith.constant 0 : i32
        %dma_start3A_81 = tpu.memref_slice %arg13[%dma_start3A_79, %dma_start3A_80] : memref<10240x128xf32, #tpu.memory_space<vmem_shared>> -> memref<10240x128xf32, #tpu.memory_space<vmem_shared>>
        tpu.enqueue_indirect_dma source(%arg11 : memref<128x128xf32, #tpu.memory_space<vmem>>) target(%dma_start3A_81 : memref<10240x128xf32, #tpu.memory_space<vmem_shared>>) offsets(%arg9 : memref<128xi32, #tpu.memory_space<vmem>>) semaphore(%run_scoped3A : memref<!tpu.dma_semaphore, #tpu.memory_space<semaphore_mem>>) {add = true}
        %dma_wait3A_82 = arith.constant 0 : i32
        %dma_wait3A_83 = arith.constant 0 : i32
        %dma_wait3A_84 = tpu.memref_slice %arg13[%dma_wait3A_82, %dma_wait3A_83] : memref<10240x128xf32, #tpu.memory_space<vmem_shared>> -> memref<10240x128xf32, #tpu.memory_space<vmem_shared>>
        tpu.wait_indirect_dma semaphore(%run_scoped3A : memref<!tpu.dma_semaphore, #tpu.memory_space<semaphore_mem>>) src(%arg11 : memref<128x128xf32, #tpu.memory_space<vmem>>) dst(%dma_wait3A_84 : memref<10240x128xf32, #tpu.memory_space<vmem_shared>>)
        tpu.yield
      }) : () -> ()
      %add3A_48 = arith.constant 2 : i32
      %add3A_49 = arith.addi %mul3A_38, %add3A_48 : i32
      %mul3A_50 = arith.constant 128 : i32
      %mul3A_51 = arith.muli %add3A_49, %mul3A_50 : i32
      %add3A_52 = arith.addi %mul3A_4, %mul3A_51 : i32
      %min3A_53 = arith.constant 323456 : i32
      %min3A_54 = arith.minsi %add3A_52, %min3A_53 : i32
      "tpu.region"() ({
        %run_scoped3A = tpu.sem_alloc : memref<!tpu.dma_semaphore, #tpu.memory_space<semaphore_mem>>
        %dma_start3A_79 = tpu.memref_slice %arg3[%arg0, %min3A_54] : memref<2x323584xi32, #tpu.memory_space<hbm>> -> memref<1x128xi32, #tpu.memory_space<hbm>>
        %dma_start3A_80 = tpu.memref_squeeze %dma_start3A_79 : memref<1x128xi32, #tpu.memory_space<hbm>> -> memref<128xi32, #tpu.memory_space<hbm>>
        %dma_start3A_81 = tpu.memref_slice %arg3[%arg0, %min3A_54] : memref<2x323584xi32, #tpu.memory_space<hbm>> -> memref<1x128xi32, #tpu.memory_space<hbm>>
        %dma_start3A_82 = tpu.memref_squeeze %dma_start3A_81 : memref<1x128xi32, #tpu.memory_space<hbm>> -> memref<128xi32, #tpu.memory_space<hbm>>
        tpu.enqueue_dma source(%dma_start3A_82 : memref<128xi32, #tpu.memory_space<hbm>>) target(%arg7 : memref<128xi32, #tpu.memory_space<vmem>>) target_semaphore(%run_scoped3A : memref<!tpu.dma_semaphore, #tpu.memory_space<semaphore_mem>>)
        %dma_wait3A_83 = tpu.memref_slice %arg3[%arg0, %min3A_54] : memref<2x323584xi32, #tpu.memory_space<hbm>> -> memref<1x128xi32, #tpu.memory_space<hbm>>
        %dma_wait3A_84 = tpu.memref_squeeze %dma_wait3A_83 : memref<1x128xi32, #tpu.memory_space<hbm>> -> memref<128xi32, #tpu.memory_space<hbm>>
        %dma_wait3A_85 = tpu.memref_slice %arg3[%arg0, %min3A_54] : memref<2x323584xi32, #tpu.memory_space<hbm>> -> memref<1x128xi32, #tpu.memory_space<hbm>>
        %dma_wait3A_86 = tpu.memref_squeeze %dma_wait3A_85 : memref<1x128xi32, #tpu.memory_space<hbm>> -> memref<128xi32, #tpu.memory_space<hbm>>
        tpu.wait_dma2 semaphore(%run_scoped3A : memref<!tpu.dma_semaphore, #tpu.memory_space<semaphore_mem>>) src(%dma_wait3A_86 : memref<128xi32, #tpu.memory_space<hbm>>) dst(%arg7 : memref<128xi32, #tpu.memory_space<vmem>>)
        tpu.yield
      }) : () -> ()
      %dma_start3A_55 = arith.constant 0 : i32
      %dma_start3A_56 = arith.constant 0 : i32
      %dma_start3A_57 = tpu.memref_slice %arg2[%dma_start3A_55, %dma_start3A_56] : memref<10000x128xf32, #tpu.memory_space<hbm>> -> memref<10000x128xf32, #tpu.memory_space<hbm>>
      tpu.enqueue_indirect_dma source(%dma_start3A_57 : memref<10000x128xf32, #tpu.memory_space<hbm>>) target(%arg11 : memref<128x128xf32, #tpu.memory_space<vmem>>) offsets(%arg7 : memref<128xi32, #tpu.memory_space<vmem>>) semaphore(%arg14 : memref<!tpu.dma_semaphore, #tpu.memory_space<semaphore_mem>>)
      %dma_wait3A_58 = arith.constant 0 : i32
      %dma_wait3A_59 = arith.constant 0 : i32
      %dma_wait3A_60 = tpu.memref_slice %arg2[%dma_wait3A_58, %dma_wait3A_59] : memref<10000x128xf32, #tpu.memory_space<hbm>> -> memref<128x128xf32, #tpu.memory_space<hbm>>
      %dma_wait3A_61 = arith.constant 0 : i32
      %dma_wait3A_62 = arith.constant 0 : i32
      %dma_wait3A_63 = tpu.memref_slice %arg2[%dma_wait3A_61, %dma_wait3A_62] : memref<10000x128xf32, #tpu.memory_space<hbm>> -> memref<128x128xf32, #tpu.memory_space<hbm>>
      tpu.wait_dma2 semaphore(%arg15 : memref<!tpu.dma_semaphore, #tpu.memory_space<semaphore_mem>>) src(%dma_wait3A_63 : memref<128x128xf32, #tpu.memory_space<hbm>>) dst(%arg12 : memref<128x128xf32, #tpu.memory_space<vmem>>)
      %add3A_64 = arith.constant 1 : i32
      %add3A_65 = arith.addi %mul3A_38, %add3A_64 : i32
      %mul3A_66 = arith.constant 128 : i32
      %mul3A_67 = arith.muli %add3A_65, %mul3A_66 : i32
      %add3A_68 = arith.addi %mul3A_4, %mul3A_67 : i32
      "tpu.region"() ({
        %run_scoped3A = tpu.sem_alloc : memref<!tpu.dma_semaphore, #tpu.memory_space<semaphore_mem>>
        %dma_start3A_79 = tpu.memref_slice %arg4[%add3A_68] : memref<323584xi32, #tpu.memory_space<hbm>> -> memref<128xi32, #tpu.memory_space<hbm>>
        %dma_start3A_80 = tpu.memref_slice %arg4[%add3A_68] : memref<323584xi32, #tpu.memory_space<hbm>> -> memref<128xi32, #tpu.memory_space<hbm>>
        tpu.enqueue_dma source(%dma_start3A_80 : memref<128xi32, #tpu.memory_space<hbm>>) target(%arg10 : memref<128xi32, #tpu.memory_space<vmem>>) target_semaphore(%run_scoped3A : memref<!tpu.dma_semaphore, #tpu.memory_space<semaphore_mem>>)
        %dma_wait3A_81 = tpu.memref_slice %arg4[%add3A_68] : memref<323584xi32, #tpu.memory_space<hbm>> -> memref<128xi32, #tpu.memory_space<hbm>>
        %dma_wait3A_82 = tpu.memref_slice %arg4[%add3A_68] : memref<323584xi32, #tpu.memory_space<hbm>> -> memref<128xi32, #tpu.memory_space<hbm>>
        tpu.wait_dma2 semaphore(%run_scoped3A : memref<!tpu.dma_semaphore, #tpu.memory_space<semaphore_mem>>) src(%dma_wait3A_82 : memref<128xi32, #tpu.memory_space<hbm>>) dst(%arg10 : memref<128xi32, #tpu.memory_space<vmem>>)
        tpu.yield
      }) : () -> ()
      "tpu.region"() ({
        %run_scoped3A = tpu.sem_alloc : memref<!tpu.dma_semaphore, #tpu.memory_space<semaphore_mem>>
        %dma_start3A_79 = arith.constant 0 : i32
        %dma_start3A_80 = arith.constant 0 : i32
        %dma_start3A_81 = tpu.memref_slice %arg13[%dma_start3A_79, %dma_start3A_80] : memref<10240x128xf32, #tpu.memory_space<vmem_shared>> -> memref<10240x128xf32, #tpu.memory_space<vmem_shared>>
        tpu.enqueue_indirect_dma source(%arg12 : memref<128x128xf32, #tpu.memory_space<vmem>>) target(%dma_start3A_81 : memref<10240x128xf32, #tpu.memory_space<vmem_shared>>) offsets(%arg10 : memref<128xi32, #tpu.memory_space<vmem>>) semaphore(%run_scoped3A : memref<!tpu.dma_semaphore, #tpu.memory_space<semaphore_mem>>) {add = true}
        %dma_wait3A_82 = arith.constant 0 : i32
        %dma_wait3A_83 = arith.constant 0 : i32
        %dma_wait3A_84 = tpu.memref_slice %arg13[%dma_wait3A_82, %dma_wait3A_83] : memref<10240x128xf32, #tpu.memory_space<vmem_shared>> -> memref<10240x128xf32, #tpu.memory_space<vmem_shared>>
        tpu.wait_indirect_dma semaphore(%run_scoped3A : memref<!tpu.dma_semaphore, #tpu.memory_space<semaphore_mem>>) src(%arg12 : memref<128x128xf32, #tpu.memory_space<vmem>>) dst(%dma_wait3A_84 : memref<10240x128xf32, #tpu.memory_space<vmem_shared>>)
        tpu.yield
      }) : () -> ()
      %add3A_69 = arith.constant 3 : i32
      %add3A_70 = arith.addi %mul3A_38, %add3A_69 : i32
      %mul3A_71 = arith.constant 128 : i32
      %mul3A_72 = arith.muli %add3A_70, %mul3A_71 : i32
      %add3A_73 = arith.addi %mul3A_4, %mul3A_72 : i32
      %min3A_74 = arith.constant 323456 : i32
      %min3A_75 = arith.minsi %add3A_73, %min3A_74 : i32
      "tpu.region"() ({
        %run_scoped3A = tpu.sem_alloc : memref<!tpu.dma_semaphore, #tpu.memory_space<semaphore_mem>>
        %dma_start3A_79 = tpu.memref_slice %arg3[%arg0, %min3A_75] : memref<2x323584xi32, #tpu.memory_space<hbm>> -> memref<1x128xi32, #tpu.memory_space<hbm>>
        %dma_start3A_80 = tpu.memref_squeeze %dma_start3A_79 : memref<1x128xi32, #tpu.memory_space<hbm>> -> memref<128xi32, #tpu.memory_space<hbm>>
        %dma_start3A_81 = tpu.memref_slice %arg3[%arg0, %min3A_75] : memref<2x323584xi32, #tpu.memory_space<hbm>> -> memref<1x128xi32, #tpu.memory_space<hbm>>
        %dma_start3A_82 = tpu.memref_squeeze %dma_start3A_81 : memref<1x128xi32, #tpu.memory_space<hbm>> -> memref<128xi32, #tpu.memory_space<hbm>>
        tpu.enqueue_dma source(%dma_start3A_82 : memref<128xi32, #tpu.memory_space<hbm>>) target(%arg8 : memref<128xi32, #tpu.memory_space<vmem>>) target_semaphore(%run_scoped3A : memref<!tpu.dma_semaphore, #tpu.memory_space<semaphore_mem>>)
        %dma_wait3A_83 = tpu.memref_slice %arg3[%arg0, %min3A_75] : memref<2x323584xi32, #tpu.memory_space<hbm>> -> memref<1x128xi32, #tpu.memory_space<hbm>>
        %dma_wait3A_84 = tpu.memref_squeeze %dma_wait3A_83 : memref<1x128xi32, #tpu.memory_space<hbm>> -> memref<128xi32, #tpu.memory_space<hbm>>
        %dma_wait3A_85 = tpu.memref_slice %arg3[%arg0, %min3A_75] : memref<2x323584xi32, #tpu.memory_space<hbm>> -> memref<1x128xi32, #tpu.memory_space<hbm>>
        %dma_wait3A_86 = tpu.memref_squeeze %dma_wait3A_85 : memref<1x128xi32, #tpu.memory_space<hbm>> -> memref<128xi32, #tpu.memory_space<hbm>>
        tpu.wait_dma2 semaphore(%run_scoped3A : memref<!tpu.dma_semaphore, #tpu.memory_space<semaphore_mem>>) src(%dma_wait3A_86 : memref<128xi32, #tpu.memory_space<hbm>>) dst(%arg8 : memref<128xi32, #tpu.memory_space<vmem>>)
        tpu.yield
      }) : () -> ()
      %dma_start3A_76 = arith.constant 0 : i32
      %dma_start3A_77 = arith.constant 0 : i32
      %dma_start3A_78 = tpu.memref_slice %arg2[%dma_start3A_76, %dma_start3A_77] : memref<10000x128xf32, #tpu.memory_space<hbm>> -> memref<10000x128xf32, #tpu.memory_space<hbm>>
      tpu.enqueue_indirect_dma source(%dma_start3A_78 : memref<10000x128xf32, #tpu.memory_space<hbm>>) target(%arg12 : memref<128x128xf32, #tpu.memory_space<vmem>>) offsets(%arg8 : memref<128xi32, #tpu.memory_space<vmem>>) semaphore(%arg15 : memref<!tpu.dma_semaphore, #tpu.memory_space<semaphore_mem>>)
    }
    %scan3A_21 = arith.constant 39 : i32
    %dma_wait3A = arith.constant 0 : i32
    %dma_wait3A_22 = arith.constant 0 : i32
    %dma_wait3A_23 = tpu.memref_slice %arg2[%dma_wait3A, %dma_wait3A_22] : memref<10000x128xf32, #tpu.memory_space<hbm>> -> memref<128x128xf32, #tpu.memory_space<hbm>>
    %dma_wait3A_24 = arith.constant 0 : i32
    %dma_wait3A_25 = arith.constant 0 : i32
    %dma_wait3A_26 = tpu.memref_slice %arg2[%dma_wait3A_24, %dma_wait3A_25] : memref<10000x128xf32, #tpu.memory_space<hbm>> -> memref<128x128xf32, #tpu.memory_space<hbm>>
    tpu.wait_dma2 semaphore(%arg14 : memref<!tpu.dma_semaphore, #tpu.memory_space<semaphore_mem>>) src(%dma_wait3A_26 : memref<128x128xf32, #tpu.memory_space<hbm>>) dst(%arg11 : memref<128x128xf32, #tpu.memory_space<vmem>>)
    %add3A_27 = arith.constant 9984 : i32
    %add3A_28 = arith.addi %mul3A_4, %add3A_27 : i32
    "tpu.region"() ({
      %run_scoped3A = tpu.sem_alloc : memref<!tpu.dma_semaphore, #tpu.memory_space<semaphore_mem>>
      %dma_start3A_36 = tpu.memref_slice %arg4[%add3A_28] : memref<323584xi32, #tpu.memory_space<hbm>> -> memref<128xi32, #tpu.memory_space<hbm>>
      %dma_start3A_37 = tpu.memref_slice %arg4[%add3A_28] : memref<323584xi32, #tpu.memory_space<hbm>> -> memref<128xi32, #tpu.memory_space<hbm>>
      tpu.enqueue_dma source(%dma_start3A_37 : memref<128xi32, #tpu.memory_space<hbm>>) target(%arg9 : memref<128xi32, #tpu.memory_space<vmem>>) target_semaphore(%run_scoped3A : memref<!tpu.dma_semaphore, #tpu.memory_space<semaphore_mem>>)
      %dma_wait3A_38 = tpu.memref_slice %arg4[%add3A_28] : memref<323584xi32, #tpu.memory_space<hbm>> -> memref<128xi32, #tpu.memory_space<hbm>>
      %dma_wait3A_39 = tpu.memref_slice %arg4[%add3A_28] : memref<323584xi32, #tpu.memory_space<hbm>> -> memref<128xi32, #tpu.memory_space<hbm>>
      tpu.wait_dma2 semaphore(%run_scoped3A : memref<!tpu.dma_semaphore, #tpu.memory_space<semaphore_mem>>) src(%dma_wait3A_39 : memref<128xi32, #tpu.memory_space<hbm>>) dst(%arg9 : memref<128xi32, #tpu.memory_space<vmem>>)
      tpu.yield
    }) : () -> ()
    "tpu.region"() ({
      %run_scoped3A = tpu.sem_alloc : memref<!tpu.dma_semaphore, #tpu.memory_space<semaphore_mem>>
      %dma_start3A_36 = arith.constant 0 : i32
      %dma_start3A_37 = arith.constant 0 : i32
      %dma_start3A_38 = tpu.memref_slice %arg13[%dma_start3A_36, %dma_start3A_37] : memref<10240x128xf32, #tpu.memory_space<vmem_shared>> -> memref<10240x128xf32, #tpu.memory_space<vmem_shared>>
      tpu.enqueue_indirect_dma source(%arg11 : memref<128x128xf32, #tpu.memory_space<vmem>>) target(%dma_start3A_38 : memref<10240x128xf32, #tpu.memory_space<vmem_shared>>) offsets(%arg9 : memref<128xi32, #tpu.memory_space<vmem>>) semaphore(%run_scoped3A : memref<!tpu.dma_semaphore, #tpu.memory_space<semaphore_mem>>) {add = true}
      %dma_wait3A_39 = arith.constant 0 : i32
      %dma_wait3A_40 = arith.constant 0 : i32
      %dma_wait3A_41 = tpu.memref_slice %arg13[%dma_wait3A_39, %dma_wait3A_40] : memref<10240x128xf32, #tpu.memory_space<vmem_shared>> -> memref<10240x128xf32, #tpu.memory_space<vmem_shared>>
      tpu.wait_indirect_dma semaphore(%run_scoped3A : memref<!tpu.dma_semaphore, #tpu.memory_space<semaphore_mem>>) src(%arg11 : memref<128x128xf32, #tpu.memory_space<vmem>>) dst(%dma_wait3A_41 : memref<10240x128xf32, #tpu.memory_space<vmem_shared>>)
      tpu.yield
    }) : () -> ()
    %dma_wait3A_29 = arith.constant 0 : i32
    %dma_wait3A_30 = arith.constant 0 : i32
    %dma_wait3A_31 = tpu.memref_slice %arg2[%dma_wait3A_29, %dma_wait3A_30] : memref<10000x128xf32, #tpu.memory_space<hbm>> -> memref<128x128xf32, #tpu.memory_space<hbm>>
    %dma_wait3A_32 = arith.constant 0 : i32
    %dma_wait3A_33 = arith.constant 0 : i32
    %dma_wait3A_34 = tpu.memref_slice %arg2[%dma_wait3A_32, %dma_wait3A_33] : memref<10000x128xf32, #tpu.memory_space<hbm>> -> memref<128x128xf32, #tpu.memory_space<hbm>>
    tpu.wait_dma2 semaphore(%arg15 : memref<!tpu.dma_semaphore, #tpu.memory_space<semaphore_mem>>) src(%dma_wait3A_34 : memref<128x128xf32, #tpu.memory_space<hbm>>) dst(%arg12 : memref<128x128xf32, #tpu.memory_space<vmem>>)
    %barrier3A_35 = arith.constant 0 : index
    tpu.barrier barrier_id(%barrier3A_35)
    "tpu.region"() ({
      %run_scoped3A = tpu.sem_alloc : memref<!tpu.dma_semaphore, #tpu.memory_space<semaphore_mem>>
      %dma_start3A_36 = arith.constant 0 : i32
      %dma_start3A_37 = tpu.memref_slice %arg6[%arg0, %mul3A_0, %dma_start3A_36] : memref<2x10240x128xf32, #tpu.memory_space<hbm>> -> memref<1x640x128xf32, #tpu.memory_space<hbm>>
      %dma_start3A_38 = tpu.memref_squeeze %dma_start3A_37 : memref<1x640x128xf32, #tpu.memory_space<hbm>> -> memref<640x128xf32, #tpu.memory_space<hbm>>
      %dma_start3A_39 = arith.constant 0 : i32
      %dma_start3A_40 = tpu.memref_slice %arg13[%mul3A_0, %dma_start3A_39] : memref<10240x128xf32, #tpu.memory_space<vmem_shared>> -> memref<640x128xf32, #tpu.memory_space<vmem_shared>>
      tpu.enqueue_dma source(%dma_start3A_40 : memref<640x128xf32, #tpu.memory_space<vmem_shared>>) target(%dma_start3A_38 : memref<640x128xf32, #tpu.memory_space<hbm>>) target_semaphore(%run_scoped3A : memref<!tpu.dma_semaphore, #tpu.memory_space<semaphore_mem>>)
      %dma_wait3A_41 = arith.constant 0 : i32
      %dma_wait3A_42 = tpu.memref_slice %arg6[%arg0, %mul3A_0, %dma_wait3A_41] : memref<2x10240x128xf32, #tpu.memory_space<hbm>> -> memref<1x640x128xf32, #tpu.memory_space<hbm>>
      %dma_wait3A_43 = tpu.memref_squeeze %dma_wait3A_42 : memref<1x640x128xf32, #tpu.memory_space<hbm>> -> memref<640x128xf32, #tpu.memory_space<hbm>>
      %dma_wait3A_44 = arith.constant 0 : i32
      %dma_wait3A_45 = tpu.memref_slice %arg13[%mul3A_0, %dma_wait3A_44] : memref<10240x128xf32, #tpu.memory_space<vmem_shared>> -> memref<640x128xf32, #tpu.memory_space<vmem_shared>>
      tpu.wait_dma2 semaphore(%run_scoped3A : memref<!tpu.dma_semaphore, #tpu.memory_space<semaphore_mem>>) src(%dma_wait3A_45 : memref<640x128xf32, #tpu.memory_space<vmem_shared>>) dst(%dma_wait3A_43 : memref<640x128xf32, #tpu.memory_space<hbm>>)
      tpu.yield
    }) : () -> ()
    return
  }
}

#map = affine_map<(d0, d1) -> (0, 0)>
#map1 = affine_map<(d0, d1) -> (0)>
#map2 = affine_map<(d0, d1) -> (0, 0, 0)>
module attributes {stable_mosaic.version = 14 : i64} {
  func.func @agg(%arg0: i32, %arg1: i32, %arg2: memref<20000x128xf32, #tpu.memory_space<hbm>>, %arg3: memref<2x323584xi32, #tpu.memory_space<hbm>>, %arg4: memref<323584xi32, #tpu.memory_space<hbm>>, %arg5: memref<10240x128xf32, #tpu.memory_space<hbm>>, %arg6: memref<2x10240x128xf32, #tpu.memory_space<hbm>>, %arg7: memref<128xi32, #tpu.memory_space<vmem>>, %arg8: memref<128xi32, #tpu.memory_space<vmem>>, %arg9: memref<128xi32, #tpu.memory_space<vmem>>, %arg10: memref<128xi32, #tpu.memory_space<vmem>>, %arg11: memref<128x128xf32, #tpu.memory_space<vmem>>, %arg12: memref<128x128xf32, #tpu.memory_space<vmem>>, %arg13: memref<10240x128xf32, #tpu.memory_space<vmem_shared>>, %arg14: memref<!tpu.dma_semaphore, #tpu.memory_space<semaphore_mem>>, %arg15: memref<!tpu.dma_semaphore, #tpu.memory_space<semaphore_mem>>) attributes {dimension_semantics = [#tpu.dimension_semantics<core_parallel>, #tpu.dimension_semantics<subcore_parallel>], iteration_bounds = array<i64: 2, 16>, scalar_prefetch = 0 : i64, scratch_operands = 9 : i64, tpu.core_type = #tpu.core_type<sc_vector_subcore>, window_params = [{transform_indices = #map}, {transform_indices = #map}, {transform_indices = #map1}, {transform_indices = #map}, {transform_indices = #map2}]} {
    %mul3A = arith.constant 640 : i32
    %mul3A_0 = arith.muli %arg1, %mul3A : i32
    "tpu.region"() ({
      %run_scoped3A = tpu.sem_alloc : memref<!tpu.dma_semaphore, #tpu.memory_space<semaphore_mem>>
      %dma_start3A_31 = arith.constant 0 : i32
      %dma_start3A_32 = tpu.memref_slice %arg13[%mul3A_0, %dma_start3A_31] : memref<10240x128xf32, #tpu.memory_space<vmem_shared>> -> memref<640x128xf32, #tpu.memory_space<vmem_shared>>
      %dma_start3A_33 = arith.constant 0 : i32
      %dma_start3A_34 = tpu.memref_slice %arg5[%mul3A_0, %dma_start3A_33] : memref<10240x128xf32, #tpu.memory_space<hbm>> -> memref<640x128xf32, #tpu.memory_space<hbm>>
      tpu.enqueue_dma source(%dma_start3A_34 : memref<640x128xf32, #tpu.memory_space<hbm>>) target(%dma_start3A_32 : memref<640x128xf32, #tpu.memory_space<vmem_shared>>) target_semaphore(%run_scoped3A : memref<!tpu.dma_semaphore, #tpu.memory_space<semaphore_mem>>)
      %dma_wait3A_35 = arith.constant 0 : i32
      %dma_wait3A_36 = tpu.memref_slice %arg13[%mul3A_0, %dma_wait3A_35] : memref<10240x128xf32, #tpu.memory_space<vmem_shared>> -> memref<640x128xf32, #tpu.memory_space<vmem_shared>>
      %dma_wait3A_37 = arith.constant 0 : i32
      %dma_wait3A_38 = tpu.memref_slice %arg5[%mul3A_0, %dma_wait3A_37] : memref<10240x128xf32, #tpu.memory_space<hbm>> -> memref<640x128xf32, #tpu.memory_space<hbm>>
      tpu.wait_dma2 semaphore(%run_scoped3A : memref<!tpu.dma_semaphore, #tpu.memory_space<semaphore_mem>>) src(%dma_wait3A_38 : memref<640x128xf32, #tpu.memory_space<hbm>>) dst(%dma_wait3A_36 : memref<640x128xf32, #tpu.memory_space<vmem_shared>>)
      tpu.yield
    }) : () -> ()
    %barrier3A = arith.constant 0 : index
    tpu.barrier barrier_id(%barrier3A)
    %mul3A_1 = arith.constant 20224 : i32
    %mul3A_2 = arith.muli %arg1, %mul3A_1 : i32
    %add3A = arith.constant 0 : i32
    %add3A_3 = arith.addi %mul3A_2, %add3A : i32
    %min3A = arith.constant 323456 : i32
    %min3A_4 = arith.minsi %add3A_3, %min3A : i32
    "tpu.region"() ({
      %run_scoped3A = tpu.sem_alloc : memref<!tpu.dma_semaphore, #tpu.memory_space<semaphore_mem>>
      %dma_start3A_31 = tpu.memref_slice %arg3[%arg0, %min3A_4] : memref<2x323584xi32, #tpu.memory_space<hbm>> -> memref<1x128xi32, #tpu.memory_space<hbm>>
      %dma_start3A_32 = tpu.memref_squeeze %dma_start3A_31 : memref<1x128xi32, #tpu.memory_space<hbm>> -> memref<128xi32, #tpu.memory_space<hbm>>
      %dma_start3A_33 = tpu.memref_slice %arg3[%arg0, %min3A_4] : memref<2x323584xi32, #tpu.memory_space<hbm>> -> memref<1x128xi32, #tpu.memory_space<hbm>>
      %dma_start3A_34 = tpu.memref_squeeze %dma_start3A_33 : memref<1x128xi32, #tpu.memory_space<hbm>> -> memref<128xi32, #tpu.memory_space<hbm>>
      tpu.enqueue_dma source(%dma_start3A_34 : memref<128xi32, #tpu.memory_space<hbm>>) target(%arg7 : memref<128xi32, #tpu.memory_space<vmem>>) target_semaphore(%run_scoped3A : memref<!tpu.dma_semaphore, #tpu.memory_space<semaphore_mem>>)
      %dma_wait3A_35 = tpu.memref_slice %arg3[%arg0, %min3A_4] : memref<2x323584xi32, #tpu.memory_space<hbm>> -> memref<1x128xi32, #tpu.memory_space<hbm>>
      %dma_wait3A_36 = tpu.memref_squeeze %dma_wait3A_35 : memref<1x128xi32, #tpu.memory_space<hbm>> -> memref<128xi32, #tpu.memory_space<hbm>>
      %dma_wait3A_37 = tpu.memref_slice %arg3[%arg0, %min3A_4] : memref<2x323584xi32, #tpu.memory_space<hbm>> -> memref<1x128xi32, #tpu.memory_space<hbm>>
      %dma_wait3A_38 = tpu.memref_squeeze %dma_wait3A_37 : memref<1x128xi32, #tpu.memory_space<hbm>> -> memref<128xi32, #tpu.memory_space<hbm>>
      tpu.wait_dma2 semaphore(%run_scoped3A : memref<!tpu.dma_semaphore, #tpu.memory_space<semaphore_mem>>) src(%dma_wait3A_38 : memref<128xi32, #tpu.memory_space<hbm>>) dst(%arg7 : memref<128xi32, #tpu.memory_space<vmem>>)
      tpu.yield
    }) : () -> ()
    %dma_start3A = arith.constant 0 : i32
    %dma_start3A_5 = arith.constant 0 : i32
    %dma_start3A_6 = tpu.memref_slice %arg2[%dma_start3A, %dma_start3A_5] : memref<20000x128xf32, #tpu.memory_space<hbm>> -> memref<20000x128xf32, #tpu.memory_space<hbm>>
    tpu.enqueue_indirect_dma source(%dma_start3A_6 : memref<20000x128xf32, #tpu.memory_space<hbm>>) target(%arg11 : memref<128x128xf32, #tpu.memory_space<vmem>>) offsets(%arg7 : memref<128xi32, #tpu.memory_space<vmem>>) semaphore(%arg14 : memref<!tpu.dma_semaphore, #tpu.memory_space<semaphore_mem>>)
    %add3A_7 = arith.constant 128 : i32
    %add3A_8 = arith.addi %mul3A_2, %add3A_7 : i32
    %min3A_9 = arith.constant 323456 : i32
    %min3A_10 = arith.minsi %add3A_8, %min3A_9 : i32
    "tpu.region"() ({
      %run_scoped3A = tpu.sem_alloc : memref<!tpu.dma_semaphore, #tpu.memory_space<semaphore_mem>>
      %dma_start3A_31 = tpu.memref_slice %arg3[%arg0, %min3A_10] : memref<2x323584xi32, #tpu.memory_space<hbm>> -> memref<1x128xi32, #tpu.memory_space<hbm>>
      %dma_start3A_32 = tpu.memref_squeeze %dma_start3A_31 : memref<1x128xi32, #tpu.memory_space<hbm>> -> memref<128xi32, #tpu.memory_space<hbm>>
      %dma_start3A_33 = tpu.memref_slice %arg3[%arg0, %min3A_10] : memref<2x323584xi32, #tpu.memory_space<hbm>> -> memref<1x128xi32, #tpu.memory_space<hbm>>
      %dma_start3A_34 = tpu.memref_squeeze %dma_start3A_33 : memref<1x128xi32, #tpu.memory_space<hbm>> -> memref<128xi32, #tpu.memory_space<hbm>>
      tpu.enqueue_dma source(%dma_start3A_34 : memref<128xi32, #tpu.memory_space<hbm>>) target(%arg8 : memref<128xi32, #tpu.memory_space<vmem>>) target_semaphore(%run_scoped3A : memref<!tpu.dma_semaphore, #tpu.memory_space<semaphore_mem>>)
      %dma_wait3A_35 = tpu.memref_slice %arg3[%arg0, %min3A_10] : memref<2x323584xi32, #tpu.memory_space<hbm>> -> memref<1x128xi32, #tpu.memory_space<hbm>>
      %dma_wait3A_36 = tpu.memref_squeeze %dma_wait3A_35 : memref<1x128xi32, #tpu.memory_space<hbm>> -> memref<128xi32, #tpu.memory_space<hbm>>
      %dma_wait3A_37 = tpu.memref_slice %arg3[%arg0, %min3A_10] : memref<2x323584xi32, #tpu.memory_space<hbm>> -> memref<1x128xi32, #tpu.memory_space<hbm>>
      %dma_wait3A_38 = tpu.memref_squeeze %dma_wait3A_37 : memref<1x128xi32, #tpu.memory_space<hbm>> -> memref<128xi32, #tpu.memory_space<hbm>>
      tpu.wait_dma2 semaphore(%run_scoped3A : memref<!tpu.dma_semaphore, #tpu.memory_space<semaphore_mem>>) src(%dma_wait3A_38 : memref<128xi32, #tpu.memory_space<hbm>>) dst(%arg8 : memref<128xi32, #tpu.memory_space<vmem>>)
      tpu.yield
    }) : () -> ()
    %dma_start3A_11 = arith.constant 0 : i32
    %dma_start3A_12 = arith.constant 0 : i32
    %dma_start3A_13 = tpu.memref_slice %arg2[%dma_start3A_11, %dma_start3A_12] : memref<20000x128xf32, #tpu.memory_space<hbm>> -> memref<20000x128xf32, #tpu.memory_space<hbm>>
    tpu.enqueue_indirect_dma source(%dma_start3A_13 : memref<20000x128xf32, #tpu.memory_space<hbm>>) target(%arg12 : memref<128x128xf32, #tpu.memory_space<vmem>>) offsets(%arg8 : memref<128xi32, #tpu.memory_space<vmem>>) semaphore(%arg15 : memref<!tpu.dma_semaphore, #tpu.memory_space<semaphore_mem>>)
    %scan3A = arith.constant 0 : i32
    %scan3A_14 = arith.constant 0 : i32
    %scan3A_15 = arith.constant 79 : i32
    %scan3A_16 = arith.addi %scan3A_14, %scan3A_15 : i32
    %scan3A_17 = arith.constant 1 : i32
    scf.for %scan3A_31 = %scan3A_14 to %scan3A_16 step %scan3A_17  : i32 {
      %mul3A_32 = arith.constant 2 : i32
      %mul3A_33 = arith.muli %mul3A_32, %scan3A_31 : i32
      %dma_wait3A_34 = arith.constant 0 : i32
      %dma_wait3A_35 = arith.constant 0 : i32
      %dma_wait3A_36 = tpu.memref_slice %arg2[%dma_wait3A_34, %dma_wait3A_35] : memref<20000x128xf32, #tpu.memory_space<hbm>> -> memref<128x128xf32, #tpu.memory_space<hbm>>
      %dma_wait3A_37 = arith.constant 0 : i32
      %dma_wait3A_38 = arith.constant 0 : i32
      %dma_wait3A_39 = tpu.memref_slice %arg2[%dma_wait3A_37, %dma_wait3A_38] : memref<20000x128xf32, #tpu.memory_space<hbm>> -> memref<128x128xf32, #tpu.memory_space<hbm>>
      tpu.wait_dma2 semaphore(%arg14 : memref<!tpu.dma_semaphore, #tpu.memory_space<semaphore_mem>>) src(%dma_wait3A_39 : memref<128x128xf32, #tpu.memory_space<hbm>>) dst(%arg11 : memref<128x128xf32, #tpu.memory_space<vmem>>)
      %mul3A_40 = arith.constant 128 : i32
      %mul3A_41 = arith.muli %mul3A_33, %mul3A_40 : i32
      %add3A_42 = arith.addi %mul3A_2, %mul3A_41 : i32
      "tpu.region"() ({
        %run_scoped3A = tpu.sem_alloc : memref<!tpu.dma_semaphore, #tpu.memory_space<semaphore_mem>>
        %dma_start3A_74 = tpu.memref_slice %arg4[%add3A_42] : memref<323584xi32, #tpu.memory_space<hbm>> -> memref<128xi32, #tpu.memory_space<hbm>>
        %dma_start3A_75 = tpu.memref_slice %arg4[%add3A_42] : memref<323584xi32, #tpu.memory_space<hbm>> -> memref<128xi32, #tpu.memory_space<hbm>>
        tpu.enqueue_dma source(%dma_start3A_75 : memref<128xi32, #tpu.memory_space<hbm>>) target(%arg9 : memref<128xi32, #tpu.memory_space<vmem>>) target_semaphore(%run_scoped3A : memref<!tpu.dma_semaphore, #tpu.memory_space<semaphore_mem>>)
        %dma_wait3A_76 = tpu.memref_slice %arg4[%add3A_42] : memref<323584xi32, #tpu.memory_space<hbm>> -> memref<128xi32, #tpu.memory_space<hbm>>
        %dma_wait3A_77 = tpu.memref_slice %arg4[%add3A_42] : memref<323584xi32, #tpu.memory_space<hbm>> -> memref<128xi32, #tpu.memory_space<hbm>>
        tpu.wait_dma2 semaphore(%run_scoped3A : memref<!tpu.dma_semaphore, #tpu.memory_space<semaphore_mem>>) src(%dma_wait3A_77 : memref<128xi32, #tpu.memory_space<hbm>>) dst(%arg9 : memref<128xi32, #tpu.memory_space<vmem>>)
        tpu.yield
      }) : () -> ()
      "tpu.region"() ({
        %run_scoped3A = tpu.sem_alloc : memref<!tpu.dma_semaphore, #tpu.memory_space<semaphore_mem>>
        %dma_start3A_74 = arith.constant 0 : i32
        %dma_start3A_75 = arith.constant 0 : i32
        %dma_start3A_76 = tpu.memref_slice %arg13[%dma_start3A_74, %dma_start3A_75] : memref<10240x128xf32, #tpu.memory_space<vmem_shared>> -> memref<10240x128xf32, #tpu.memory_space<vmem_shared>>
        tpu.enqueue_indirect_dma source(%arg11 : memref<128x128xf32, #tpu.memory_space<vmem>>) target(%dma_start3A_76 : memref<10240x128xf32, #tpu.memory_space<vmem_shared>>) offsets(%arg9 : memref<128xi32, #tpu.memory_space<vmem>>) semaphore(%run_scoped3A : memref<!tpu.dma_semaphore, #tpu.memory_space<semaphore_mem>>) {add = true}
        %dma_wait3A_77 = arith.constant 0 : i32
        %dma_wait3A_78 = arith.constant 0 : i32
        %dma_wait3A_79 = tpu.memref_slice %arg13[%dma_wait3A_77, %dma_wait3A_78] : memref<10240x128xf32, #tpu.memory_space<vmem_shared>> -> memref<10240x128xf32, #tpu.memory_space<vmem_shared>>
        tpu.wait_indirect_dma semaphore(%run_scoped3A : memref<!tpu.dma_semaphore, #tpu.memory_space<semaphore_mem>>) src(%arg11 : memref<128x128xf32, #tpu.memory_space<vmem>>) dst(%dma_wait3A_79 : memref<10240x128xf32, #tpu.memory_space<vmem_shared>>)
        tpu.yield
      }) : () -> ()
      %add3A_43 = arith.constant 2 : i32
      %add3A_44 = arith.addi %mul3A_33, %add3A_43 : i32
      %mul3A_45 = arith.constant 128 : i32
      %mul3A_46 = arith.muli %add3A_44, %mul3A_45 : i32
      %add3A_47 = arith.addi %mul3A_2, %mul3A_46 : i32
      %min3A_48 = arith.constant 323456 : i32
      %min3A_49 = arith.minsi %add3A_47, %min3A_48 : i32
      "tpu.region"() ({
        %run_scoped3A = tpu.sem_alloc : memref<!tpu.dma_semaphore, #tpu.memory_space<semaphore_mem>>
        %dma_start3A_74 = tpu.memref_slice %arg3[%arg0, %min3A_49] : memref<2x323584xi32, #tpu.memory_space<hbm>> -> memref<1x128xi32, #tpu.memory_space<hbm>>
        %dma_start3A_75 = tpu.memref_squeeze %dma_start3A_74 : memref<1x128xi32, #tpu.memory_space<hbm>> -> memref<128xi32, #tpu.memory_space<hbm>>
        %dma_start3A_76 = tpu.memref_slice %arg3[%arg0, %min3A_49] : memref<2x323584xi32, #tpu.memory_space<hbm>> -> memref<1x128xi32, #tpu.memory_space<hbm>>
        %dma_start3A_77 = tpu.memref_squeeze %dma_start3A_76 : memref<1x128xi32, #tpu.memory_space<hbm>> -> memref<128xi32, #tpu.memory_space<hbm>>
        tpu.enqueue_dma source(%dma_start3A_77 : memref<128xi32, #tpu.memory_space<hbm>>) target(%arg7 : memref<128xi32, #tpu.memory_space<vmem>>) target_semaphore(%run_scoped3A : memref<!tpu.dma_semaphore, #tpu.memory_space<semaphore_mem>>)
        %dma_wait3A_78 = tpu.memref_slice %arg3[%arg0, %min3A_49] : memref<2x323584xi32, #tpu.memory_space<hbm>> -> memref<1x128xi32, #tpu.memory_space<hbm>>
        %dma_wait3A_79 = tpu.memref_squeeze %dma_wait3A_78 : memref<1x128xi32, #tpu.memory_space<hbm>> -> memref<128xi32, #tpu.memory_space<hbm>>
        %dma_wait3A_80 = tpu.memref_slice %arg3[%arg0, %min3A_49] : memref<2x323584xi32, #tpu.memory_space<hbm>> -> memref<1x128xi32, #tpu.memory_space<hbm>>
        %dma_wait3A_81 = tpu.memref_squeeze %dma_wait3A_80 : memref<1x128xi32, #tpu.memory_space<hbm>> -> memref<128xi32, #tpu.memory_space<hbm>>
        tpu.wait_dma2 semaphore(%run_scoped3A : memref<!tpu.dma_semaphore, #tpu.memory_space<semaphore_mem>>) src(%dma_wait3A_81 : memref<128xi32, #tpu.memory_space<hbm>>) dst(%arg7 : memref<128xi32, #tpu.memory_space<vmem>>)
        tpu.yield
      }) : () -> ()
      %dma_start3A_50 = arith.constant 0 : i32
      %dma_start3A_51 = arith.constant 0 : i32
      %dma_start3A_52 = tpu.memref_slice %arg2[%dma_start3A_50, %dma_start3A_51] : memref<20000x128xf32, #tpu.memory_space<hbm>> -> memref<20000x128xf32, #tpu.memory_space<hbm>>
      tpu.enqueue_indirect_dma source(%dma_start3A_52 : memref<20000x128xf32, #tpu.memory_space<hbm>>) target(%arg11 : memref<128x128xf32, #tpu.memory_space<vmem>>) offsets(%arg7 : memref<128xi32, #tpu.memory_space<vmem>>) semaphore(%arg14 : memref<!tpu.dma_semaphore, #tpu.memory_space<semaphore_mem>>)
      %dma_wait3A_53 = arith.constant 0 : i32
      %dma_wait3A_54 = arith.constant 0 : i32
      %dma_wait3A_55 = tpu.memref_slice %arg2[%dma_wait3A_53, %dma_wait3A_54] : memref<20000x128xf32, #tpu.memory_space<hbm>> -> memref<128x128xf32, #tpu.memory_space<hbm>>
      %dma_wait3A_56 = arith.constant 0 : i32
      %dma_wait3A_57 = arith.constant 0 : i32
      %dma_wait3A_58 = tpu.memref_slice %arg2[%dma_wait3A_56, %dma_wait3A_57] : memref<20000x128xf32, #tpu.memory_space<hbm>> -> memref<128x128xf32, #tpu.memory_space<hbm>>
      tpu.wait_dma2 semaphore(%arg15 : memref<!tpu.dma_semaphore, #tpu.memory_space<semaphore_mem>>) src(%dma_wait3A_58 : memref<128x128xf32, #tpu.memory_space<hbm>>) dst(%arg12 : memref<128x128xf32, #tpu.memory_space<vmem>>)
      %add3A_59 = arith.constant 1 : i32
      %add3A_60 = arith.addi %mul3A_33, %add3A_59 : i32
      %mul3A_61 = arith.constant 128 : i32
      %mul3A_62 = arith.muli %add3A_60, %mul3A_61 : i32
      %add3A_63 = arith.addi %mul3A_2, %mul3A_62 : i32
      "tpu.region"() ({
        %run_scoped3A = tpu.sem_alloc : memref<!tpu.dma_semaphore, #tpu.memory_space<semaphore_mem>>
        %dma_start3A_74 = tpu.memref_slice %arg4[%add3A_63] : memref<323584xi32, #tpu.memory_space<hbm>> -> memref<128xi32, #tpu.memory_space<hbm>>
        %dma_start3A_75 = tpu.memref_slice %arg4[%add3A_63] : memref<323584xi32, #tpu.memory_space<hbm>> -> memref<128xi32, #tpu.memory_space<hbm>>
        tpu.enqueue_dma source(%dma_start3A_75 : memref<128xi32, #tpu.memory_space<hbm>>) target(%arg10 : memref<128xi32, #tpu.memory_space<vmem>>) target_semaphore(%run_scoped3A : memref<!tpu.dma_semaphore, #tpu.memory_space<semaphore_mem>>)
        %dma_wait3A_76 = tpu.memref_slice %arg4[%add3A_63] : memref<323584xi32, #tpu.memory_space<hbm>> -> memref<128xi32, #tpu.memory_space<hbm>>
        %dma_wait3A_77 = tpu.memref_slice %arg4[%add3A_63] : memref<323584xi32, #tpu.memory_space<hbm>> -> memref<128xi32, #tpu.memory_space<hbm>>
        tpu.wait_dma2 semaphore(%run_scoped3A : memref<!tpu.dma_semaphore, #tpu.memory_space<semaphore_mem>>) src(%dma_wait3A_77 : memref<128xi32, #tpu.memory_space<hbm>>) dst(%arg10 : memref<128xi32, #tpu.memory_space<vmem>>)
        tpu.yield
      }) : () -> ()
      "tpu.region"() ({
        %run_scoped3A = tpu.sem_alloc : memref<!tpu.dma_semaphore, #tpu.memory_space<semaphore_mem>>
        %dma_start3A_74 = arith.constant 0 : i32
        %dma_start3A_75 = arith.constant 0 : i32
        %dma_start3A_76 = tpu.memref_slice %arg13[%dma_start3A_74, %dma_start3A_75] : memref<10240x128xf32, #tpu.memory_space<vmem_shared>> -> memref<10240x128xf32, #tpu.memory_space<vmem_shared>>
        tpu.enqueue_indirect_dma source(%arg12 : memref<128x128xf32, #tpu.memory_space<vmem>>) target(%dma_start3A_76 : memref<10240x128xf32, #tpu.memory_space<vmem_shared>>) offsets(%arg10 : memref<128xi32, #tpu.memory_space<vmem>>) semaphore(%run_scoped3A : memref<!tpu.dma_semaphore, #tpu.memory_space<semaphore_mem>>) {add = true}
        %dma_wait3A_77 = arith.constant 0 : i32
        %dma_wait3A_78 = arith.constant 0 : i32
        %dma_wait3A_79 = tpu.memref_slice %arg13[%dma_wait3A_77, %dma_wait3A_78] : memref<10240x128xf32, #tpu.memory_space<vmem_shared>> -> memref<10240x128xf32, #tpu.memory_space<vmem_shared>>
        tpu.wait_indirect_dma semaphore(%run_scoped3A : memref<!tpu.dma_semaphore, #tpu.memory_space<semaphore_mem>>) src(%arg12 : memref<128x128xf32, #tpu.memory_space<vmem>>) dst(%dma_wait3A_79 : memref<10240x128xf32, #tpu.memory_space<vmem_shared>>)
        tpu.yield
      }) : () -> ()
      %add3A_64 = arith.constant 3 : i32
      %add3A_65 = arith.addi %mul3A_33, %add3A_64 : i32
      %mul3A_66 = arith.constant 128 : i32
      %mul3A_67 = arith.muli %add3A_65, %mul3A_66 : i32
      %add3A_68 = arith.addi %mul3A_2, %mul3A_67 : i32
      %min3A_69 = arith.constant 323456 : i32
      %min3A_70 = arith.minsi %add3A_68, %min3A_69 : i32
      "tpu.region"() ({
        %run_scoped3A = tpu.sem_alloc : memref<!tpu.dma_semaphore, #tpu.memory_space<semaphore_mem>>
        %dma_start3A_74 = tpu.memref_slice %arg3[%arg0, %min3A_70] : memref<2x323584xi32, #tpu.memory_space<hbm>> -> memref<1x128xi32, #tpu.memory_space<hbm>>
        %dma_start3A_75 = tpu.memref_squeeze %dma_start3A_74 : memref<1x128xi32, #tpu.memory_space<hbm>> -> memref<128xi32, #tpu.memory_space<hbm>>
        %dma_start3A_76 = tpu.memref_slice %arg3[%arg0, %min3A_70] : memref<2x323584xi32, #tpu.memory_space<hbm>> -> memref<1x128xi32, #tpu.memory_space<hbm>>
        %dma_start3A_77 = tpu.memref_squeeze %dma_start3A_76 : memref<1x128xi32, #tpu.memory_space<hbm>> -> memref<128xi32, #tpu.memory_space<hbm>>
        tpu.enqueue_dma source(%dma_start3A_77 : memref<128xi32, #tpu.memory_space<hbm>>) target(%arg8 : memref<128xi32, #tpu.memory_space<vmem>>) target_semaphore(%run_scoped3A : memref<!tpu.dma_semaphore, #tpu.memory_space<semaphore_mem>>)
        %dma_wait3A_78 = tpu.memref_slice %arg3[%arg0, %min3A_70] : memref<2x323584xi32, #tpu.memory_space<hbm>> -> memref<1x128xi32, #tpu.memory_space<hbm>>
        %dma_wait3A_79 = tpu.memref_squeeze %dma_wait3A_78 : memref<1x128xi32, #tpu.memory_space<hbm>> -> memref<128xi32, #tpu.memory_space<hbm>>
        %dma_wait3A_80 = tpu.memref_slice %arg3[%arg0, %min3A_70] : memref<2x323584xi32, #tpu.memory_space<hbm>> -> memref<1x128xi32, #tpu.memory_space<hbm>>
        %dma_wait3A_81 = tpu.memref_squeeze %dma_wait3A_80 : memref<1x128xi32, #tpu.memory_space<hbm>> -> memref<128xi32, #tpu.memory_space<hbm>>
        tpu.wait_dma2 semaphore(%run_scoped3A : memref<!tpu.dma_semaphore, #tpu.memory_space<semaphore_mem>>) src(%dma_wait3A_81 : memref<128xi32, #tpu.memory_space<hbm>>) dst(%arg8 : memref<128xi32, #tpu.memory_space<vmem>>)
        tpu.yield
      }) : () -> ()
      %dma_start3A_71 = arith.constant 0 : i32
      %dma_start3A_72 = arith.constant 0 : i32
      %dma_start3A_73 = tpu.memref_slice %arg2[%dma_start3A_71, %dma_start3A_72] : memref<20000x128xf32, #tpu.memory_space<hbm>> -> memref<20000x128xf32, #tpu.memory_space<hbm>>
      tpu.enqueue_indirect_dma source(%dma_start3A_73 : memref<20000x128xf32, #tpu.memory_space<hbm>>) target(%arg12 : memref<128x128xf32, #tpu.memory_space<vmem>>) offsets(%arg8 : memref<128xi32, #tpu.memory_space<vmem>>) semaphore(%arg15 : memref<!tpu.dma_semaphore, #tpu.memory_space<semaphore_mem>>)
    }
    %scan3A_18 = arith.constant 79 : i32
    %dma_wait3A = arith.constant 0 : i32
    %dma_wait3A_19 = arith.constant 0 : i32
    %dma_wait3A_20 = tpu.memref_slice %arg2[%dma_wait3A, %dma_wait3A_19] : memref<20000x128xf32, #tpu.memory_space<hbm>> -> memref<128x128xf32, #tpu.memory_space<hbm>>
    %dma_wait3A_21 = arith.constant 0 : i32
    %dma_wait3A_22 = arith.constant 0 : i32
    %dma_wait3A_23 = tpu.memref_slice %arg2[%dma_wait3A_21, %dma_wait3A_22] : memref<20000x128xf32, #tpu.memory_space<hbm>> -> memref<128x128xf32, #tpu.memory_space<hbm>>
    tpu.wait_dma2 semaphore(%arg14 : memref<!tpu.dma_semaphore, #tpu.memory_space<semaphore_mem>>) src(%dma_wait3A_23 : memref<128x128xf32, #tpu.memory_space<hbm>>) dst(%arg11 : memref<128x128xf32, #tpu.memory_space<vmem>>)
    %dma_wait3A_24 = arith.constant 0 : i32
    %dma_wait3A_25 = arith.constant 0 : i32
    %dma_wait3A_26 = tpu.memref_slice %arg2[%dma_wait3A_24, %dma_wait3A_25] : memref<20000x128xf32, #tpu.memory_space<hbm>> -> memref<128x128xf32, #tpu.memory_space<hbm>>
    %dma_wait3A_27 = arith.constant 0 : i32
    %dma_wait3A_28 = arith.constant 0 : i32
    %dma_wait3A_29 = tpu.memref_slice %arg2[%dma_wait3A_27, %dma_wait3A_28] : memref<20000x128xf32, #tpu.memory_space<hbm>> -> memref<128x128xf32, #tpu.memory_space<hbm>>
    tpu.wait_dma2 semaphore(%arg15 : memref<!tpu.dma_semaphore, #tpu.memory_space<semaphore_mem>>) src(%dma_wait3A_29 : memref<128x128xf32, #tpu.memory_space<hbm>>) dst(%arg12 : memref<128x128xf32, #tpu.memory_space<vmem>>)
    %barrier3A_30 = arith.constant 0 : index
    tpu.barrier barrier_id(%barrier3A_30)
    "tpu.region"() ({
      %run_scoped3A = tpu.sem_alloc : memref<!tpu.dma_semaphore, #tpu.memory_space<semaphore_mem>>
      %dma_start3A_31 = arith.constant 0 : i32
      %dma_start3A_32 = tpu.memref_slice %arg6[%arg0, %mul3A_0, %dma_start3A_31] : memref<2x10240x128xf32, #tpu.memory_space<hbm>> -> memref<1x640x128xf32, #tpu.memory_space<hbm>>
      %dma_start3A_33 = tpu.memref_squeeze %dma_start3A_32 : memref<1x640x128xf32, #tpu.memory_space<hbm>> -> memref<640x128xf32, #tpu.memory_space<hbm>>
      %dma_start3A_34 = arith.constant 0 : i32
      %dma_start3A_35 = tpu.memref_slice %arg13[%mul3A_0, %dma_start3A_34] : memref<10240x128xf32, #tpu.memory_space<vmem_shared>> -> memref<640x128xf32, #tpu.memory_space<vmem_shared>>
      tpu.enqueue_dma source(%dma_start3A_35 : memref<640x128xf32, #tpu.memory_space<vmem_shared>>) target(%dma_start3A_33 : memref<640x128xf32, #tpu.memory_space<hbm>>) target_semaphore(%run_scoped3A : memref<!tpu.dma_semaphore, #tpu.memory_space<semaphore_mem>>)
      %dma_wait3A_36 = arith.constant 0 : i32
      %dma_wait3A_37 = tpu.memref_slice %arg6[%arg0, %mul3A_0, %dma_wait3A_36] : memref<2x10240x128xf32, #tpu.memory_space<hbm>> -> memref<1x640x128xf32, #tpu.memory_space<hbm>>
      %dma_wait3A_38 = tpu.memref_squeeze %dma_wait3A_37 : memref<1x640x128xf32, #tpu.memory_space<hbm>> -> memref<640x128xf32, #tpu.memory_space<hbm>>
      %dma_wait3A_39 = arith.constant 0 : i32
      %dma_wait3A_40 = tpu.memref_slice %arg13[%mul3A_0, %dma_wait3A_39] : memref<10240x128xf32, #tpu.memory_space<vmem_shared>> -> memref<640x128xf32, #tpu.memory_space<vmem_shared>>
      tpu.wait_dma2 semaphore(%run_scoped3A : memref<!tpu.dma_semaphore, #tpu.memory_space<semaphore_mem>>) src(%dma_wait3A_40 : memref<640x128xf32, #tpu.memory_space<vmem_shared>>) dst(%dma_wait3A_38 : memref<640x128xf32, #tpu.memory_space<hbm>>)
      tpu.yield
    }) : () -> ()
    return
  }
}

#map = affine_map<(d0, d1) -> (0, 0)>
#map1 = affine_map<(d0, d1) -> (0)>
#map2 = affine_map<(d0, d1) -> (0, 0, 0)>
module attributes {stable_mosaic.version = 14 : i64} {
  func.func @agg(%arg0: i32, %arg1: i32, %arg2: memref<20000x128xf32, #tpu.memory_space<hbm>>, %arg3: memref<2x323584xi32, #tpu.memory_space<hbm>>, %arg4: memref<323584xi32, #tpu.memory_space<hbm>>, %arg5: memref<10240x128xf32, #tpu.memory_space<hbm>>, %arg6: memref<2x10240x128xf32, #tpu.memory_space<hbm>>, %arg7: memref<128xi32, #tpu.memory_space<vmem>>, %arg8: memref<128xi32, #tpu.memory_space<vmem>>, %arg9: memref<128xi32, #tpu.memory_space<vmem>>, %arg10: memref<128xi32, #tpu.memory_space<vmem>>, %arg11: memref<128x128xf32, #tpu.memory_space<vmem>>, %arg12: memref<128x128xf32, #tpu.memory_space<vmem>>, %arg13: memref<10240x128xf32, #tpu.memory_space<vmem_shared>>, %arg14: memref<!tpu.dma_semaphore, #tpu.memory_space<semaphore_mem>>, %arg15: memref<!tpu.dma_semaphore, #tpu.memory_space<semaphore_mem>>) attributes {dimension_semantics = [#tpu.dimension_semantics<core_parallel>, #tpu.dimension_semantics<subcore_parallel>], iteration_bounds = array<i64: 2, 16>, scalar_prefetch = 0 : i64, scratch_operands = 9 : i64, tpu.core_type = #tpu.core_type<sc_vector_subcore>, window_params = [{transform_indices = #map}, {transform_indices = #map}, {transform_indices = #map1}, {transform_indices = #map}, {transform_indices = #map2}]} {
    %mul3A = arith.constant 640 : i32
    %mul3A_0 = arith.muli %arg1, %mul3A : i32
    "tpu.region"() ({
      %run_scoped3A = tpu.sem_alloc : memref<!tpu.dma_semaphore, #tpu.memory_space<semaphore_mem>>
      %dma_start3A_31 = arith.constant 0 : i32
      %dma_start3A_32 = tpu.memref_slice %arg13[%mul3A_0, %dma_start3A_31] : memref<10240x128xf32, #tpu.memory_space<vmem_shared>> -> memref<640x128xf32, #tpu.memory_space<vmem_shared>>
      %dma_start3A_33 = arith.constant 0 : i32
      %dma_start3A_34 = tpu.memref_slice %arg5[%mul3A_0, %dma_start3A_33] : memref<10240x128xf32, #tpu.memory_space<hbm>> -> memref<640x128xf32, #tpu.memory_space<hbm>>
      tpu.enqueue_dma source(%dma_start3A_34 : memref<640x128xf32, #tpu.memory_space<hbm>>) target(%dma_start3A_32 : memref<640x128xf32, #tpu.memory_space<vmem_shared>>) target_semaphore(%run_scoped3A : memref<!tpu.dma_semaphore, #tpu.memory_space<semaphore_mem>>)
      %dma_wait3A_35 = arith.constant 0 : i32
      %dma_wait3A_36 = tpu.memref_slice %arg13[%mul3A_0, %dma_wait3A_35] : memref<10240x128xf32, #tpu.memory_space<vmem_shared>> -> memref<640x128xf32, #tpu.memory_space<vmem_shared>>
      %dma_wait3A_37 = arith.constant 0 : i32
      %dma_wait3A_38 = tpu.memref_slice %arg5[%mul3A_0, %dma_wait3A_37] : memref<10240x128xf32, #tpu.memory_space<hbm>> -> memref<640x128xf32, #tpu.memory_space<hbm>>
      tpu.wait_dma2 semaphore(%run_scoped3A : memref<!tpu.dma_semaphore, #tpu.memory_space<semaphore_mem>>) src(%dma_wait3A_38 : memref<640x128xf32, #tpu.memory_space<hbm>>) dst(%dma_wait3A_36 : memref<640x128xf32, #tpu.memory_space<vmem_shared>>)
      tpu.yield
    }) : () -> ()
    %barrier3A = arith.constant 0 : index
    tpu.barrier barrier_id(%barrier3A)
    %mul3A_1 = arith.constant 20224 : i32
    %mul3A_2 = arith.muli %arg1, %mul3A_1 : i32
    %add3A = arith.constant 0 : i32
    %add3A_3 = arith.addi %mul3A_2, %add3A : i32
    %min3A = arith.constant 323456 : i32
    %min3A_4 = arith.minsi %add3A_3, %min3A : i32
    "tpu.region"() ({
      %run_scoped3A = tpu.sem_alloc : memref<!tpu.dma_semaphore, #tpu.memory_space<semaphore_mem>>
      %dma_start3A_31 = tpu.memref_slice %arg3[%arg0, %min3A_4] : memref<2x323584xi32, #tpu.memory_space<hbm>> -> memref<1x128xi32, #tpu.memory_space<hbm>>
      %dma_start3A_32 = tpu.memref_squeeze %dma_start3A_31 : memref<1x128xi32, #tpu.memory_space<hbm>> -> memref<128xi32, #tpu.memory_space<hbm>>
      %dma_start3A_33 = tpu.memref_slice %arg3[%arg0, %min3A_4] : memref<2x323584xi32, #tpu.memory_space<hbm>> -> memref<1x128xi32, #tpu.memory_space<hbm>>
      %dma_start3A_34 = tpu.memref_squeeze %dma_start3A_33 : memref<1x128xi32, #tpu.memory_space<hbm>> -> memref<128xi32, #tpu.memory_space<hbm>>
      tpu.enqueue_dma source(%dma_start3A_34 : memref<128xi32, #tpu.memory_space<hbm>>) target(%arg7 : memref<128xi32, #tpu.memory_space<vmem>>) target_semaphore(%run_scoped3A : memref<!tpu.dma_semaphore, #tpu.memory_space<semaphore_mem>>)
      %dma_wait3A_35 = tpu.memref_slice %arg3[%arg0, %min3A_4] : memref<2x323584xi32, #tpu.memory_space<hbm>> -> memref<1x128xi32, #tpu.memory_space<hbm>>
      %dma_wait3A_36 = tpu.memref_squeeze %dma_wait3A_35 : memref<1x128xi32, #tpu.memory_space<hbm>> -> memref<128xi32, #tpu.memory_space<hbm>>
      %dma_wait3A_37 = tpu.memref_slice %arg3[%arg0, %min3A_4] : memref<2x323584xi32, #tpu.memory_space<hbm>> -> memref<1x128xi32, #tpu.memory_space<hbm>>
      %dma_wait3A_38 = tpu.memref_squeeze %dma_wait3A_37 : memref<1x128xi32, #tpu.memory_space<hbm>> -> memref<128xi32, #tpu.memory_space<hbm>>
      tpu.wait_dma2 semaphore(%run_scoped3A : memref<!tpu.dma_semaphore, #tpu.memory_space<semaphore_mem>>) src(%dma_wait3A_38 : memref<128xi32, #tpu.memory_space<hbm>>) dst(%arg7 : memref<128xi32, #tpu.memory_space<vmem>>)
      tpu.yield
    }) : () -> ()
    %dma_start3A = arith.constant 0 : i32
    %dma_start3A_5 = arith.constant 0 : i32
    %dma_start3A_6 = tpu.memref_slice %arg2[%dma_start3A, %dma_start3A_5] : memref<20000x128xf32, #tpu.memory_space<hbm>> -> memref<20000x128xf32, #tpu.memory_space<hbm>>
    tpu.enqueue_indirect_dma source(%dma_start3A_6 : memref<20000x128xf32, #tpu.memory_space<hbm>>) target(%arg11 : memref<128x128xf32, #tpu.memory_space<vmem>>) offsets(%arg7 : memref<128xi32, #tpu.memory_space<vmem>>) semaphore(%arg14 : memref<!tpu.dma_semaphore, #tpu.memory_space<semaphore_mem>>)
    %add3A_7 = arith.constant 128 : i32
    %add3A_8 = arith.addi %mul3A_2, %add3A_7 : i32
    %min3A_9 = arith.constant 323456 : i32
    %min3A_10 = arith.minsi %add3A_8, %min3A_9 : i32
    "tpu.region"() ({
      %run_scoped3A = tpu.sem_alloc : memref<!tpu.dma_semaphore, #tpu.memory_space<semaphore_mem>>
      %dma_start3A_31 = tpu.memref_slice %arg3[%arg0, %min3A_10] : memref<2x323584xi32, #tpu.memory_space<hbm>> -> memref<1x128xi32, #tpu.memory_space<hbm>>
      %dma_start3A_32 = tpu.memref_squeeze %dma_start3A_31 : memref<1x128xi32, #tpu.memory_space<hbm>> -> memref<128xi32, #tpu.memory_space<hbm>>
      %dma_start3A_33 = tpu.memref_slice %arg3[%arg0, %min3A_10] : memref<2x323584xi32, #tpu.memory_space<hbm>> -> memref<1x128xi32, #tpu.memory_space<hbm>>
      %dma_start3A_34 = tpu.memref_squeeze %dma_start3A_33 : memref<1x128xi32, #tpu.memory_space<hbm>> -> memref<128xi32, #tpu.memory_space<hbm>>
      tpu.enqueue_dma source(%dma_start3A_34 : memref<128xi32, #tpu.memory_space<hbm>>) target(%arg8 : memref<128xi32, #tpu.memory_space<vmem>>) target_semaphore(%run_scoped3A : memref<!tpu.dma_semaphore, #tpu.memory_space<semaphore_mem>>)
      %dma_wait3A_35 = tpu.memref_slice %arg3[%arg0, %min3A_10] : memref<2x323584xi32, #tpu.memory_space<hbm>> -> memref<1x128xi32, #tpu.memory_space<hbm>>
      %dma_wait3A_36 = tpu.memref_squeeze %dma_wait3A_35 : memref<1x128xi32, #tpu.memory_space<hbm>> -> memref<128xi32, #tpu.memory_space<hbm>>
      %dma_wait3A_37 = tpu.memref_slice %arg3[%arg0, %min3A_10] : memref<2x323584xi32, #tpu.memory_space<hbm>> -> memref<1x128xi32, #tpu.memory_space<hbm>>
      %dma_wait3A_38 = tpu.memref_squeeze %dma_wait3A_37 : memref<1x128xi32, #tpu.memory_space<hbm>> -> memref<128xi32, #tpu.memory_space<hbm>>
      tpu.wait_dma2 semaphore(%run_scoped3A : memref<!tpu.dma_semaphore, #tpu.memory_space<semaphore_mem>>) src(%dma_wait3A_38 : memref<128xi32, #tpu.memory_space<hbm>>) dst(%arg8 : memref<128xi32, #tpu.memory_space<vmem>>)
      tpu.yield
    }) : () -> ()
    %dma_start3A_11 = arith.constant 0 : i32
    %dma_start3A_12 = arith.constant 0 : i32
    %dma_start3A_13 = tpu.memref_slice %arg2[%dma_start3A_11, %dma_start3A_12] : memref<20000x128xf32, #tpu.memory_space<hbm>> -> memref<20000x128xf32, #tpu.memory_space<hbm>>
    tpu.enqueue_indirect_dma source(%dma_start3A_13 : memref<20000x128xf32, #tpu.memory_space<hbm>>) target(%arg12 : memref<128x128xf32, #tpu.memory_space<vmem>>) offsets(%arg8 : memref<128xi32, #tpu.memory_space<vmem>>) semaphore(%arg15 : memref<!tpu.dma_semaphore, #tpu.memory_space<semaphore_mem>>)
    %scan3A = arith.constant 0 : i32
    %scan3A_14 = arith.constant 0 : i32
    %scan3A_15 = arith.constant 79 : i32
    %scan3A_16 = arith.addi %scan3A_14, %scan3A_15 : i32
    %scan3A_17 = arith.constant 1 : i32
    scf.for %scan3A_31 = %scan3A_14 to %scan3A_16 step %scan3A_17  : i32 {
      %mul3A_32 = arith.constant 2 : i32
      %mul3A_33 = arith.muli %mul3A_32, %scan3A_31 : i32
      %dma_wait3A_34 = arith.constant 0 : i32
      %dma_wait3A_35 = arith.constant 0 : i32
      %dma_wait3A_36 = tpu.memref_slice %arg2[%dma_wait3A_34, %dma_wait3A_35] : memref<20000x128xf32, #tpu.memory_space<hbm>> -> memref<128x128xf32, #tpu.memory_space<hbm>>
      %dma_wait3A_37 = arith.constant 0 : i32
      %dma_wait3A_38 = arith.constant 0 : i32
      %dma_wait3A_39 = tpu.memref_slice %arg2[%dma_wait3A_37, %dma_wait3A_38] : memref<20000x128xf32, #tpu.memory_space<hbm>> -> memref<128x128xf32, #tpu.memory_space<hbm>>
      tpu.wait_dma2 semaphore(%arg14 : memref<!tpu.dma_semaphore, #tpu.memory_space<semaphore_mem>>) src(%dma_wait3A_39 : memref<128x128xf32, #tpu.memory_space<hbm>>) dst(%arg11 : memref<128x128xf32, #tpu.memory_space<vmem>>)
      %mul3A_40 = arith.constant 128 : i32
      %mul3A_41 = arith.muli %mul3A_33, %mul3A_40 : i32
      %add3A_42 = arith.addi %mul3A_2, %mul3A_41 : i32
      "tpu.region"() ({
        %run_scoped3A = tpu.sem_alloc : memref<!tpu.dma_semaphore, #tpu.memory_space<semaphore_mem>>
        %dma_start3A_74 = tpu.memref_slice %arg4[%add3A_42] : memref<323584xi32, #tpu.memory_space<hbm>> -> memref<128xi32, #tpu.memory_space<hbm>>
        %dma_start3A_75 = tpu.memref_slice %arg4[%add3A_42] : memref<323584xi32, #tpu.memory_space<hbm>> -> memref<128xi32, #tpu.memory_space<hbm>>
        tpu.enqueue_dma source(%dma_start3A_75 : memref<128xi32, #tpu.memory_space<hbm>>) target(%arg9 : memref<128xi32, #tpu.memory_space<vmem>>) target_semaphore(%run_scoped3A : memref<!tpu.dma_semaphore, #tpu.memory_space<semaphore_mem>>)
        %dma_wait3A_76 = tpu.memref_slice %arg4[%add3A_42] : memref<323584xi32, #tpu.memory_space<hbm>> -> memref<128xi32, #tpu.memory_space<hbm>>
        %dma_wait3A_77 = tpu.memref_slice %arg4[%add3A_42] : memref<323584xi32, #tpu.memory_space<hbm>> -> memref<128xi32, #tpu.memory_space<hbm>>
        tpu.wait_dma2 semaphore(%run_scoped3A : memref<!tpu.dma_semaphore, #tpu.memory_space<semaphore_mem>>) src(%dma_wait3A_77 : memref<128xi32, #tpu.memory_space<hbm>>) dst(%arg9 : memref<128xi32, #tpu.memory_space<vmem>>)
        tpu.yield
      }) : () -> ()
      "tpu.region"() ({
        %run_scoped3A = tpu.sem_alloc : memref<!tpu.dma_semaphore, #tpu.memory_space<semaphore_mem>>
        %dma_start3A_74 = arith.constant 0 : i32
        %dma_start3A_75 = arith.constant 0 : i32
        %dma_start3A_76 = tpu.memref_slice %arg13[%dma_start3A_74, %dma_start3A_75] : memref<10240x128xf32, #tpu.memory_space<vmem_shared>> -> memref<10240x128xf32, #tpu.memory_space<vmem_shared>>
        tpu.enqueue_indirect_dma source(%arg11 : memref<128x128xf32, #tpu.memory_space<vmem>>) target(%dma_start3A_76 : memref<10240x128xf32, #tpu.memory_space<vmem_shared>>) offsets(%arg9 : memref<128xi32, #tpu.memory_space<vmem>>) semaphore(%run_scoped3A : memref<!tpu.dma_semaphore, #tpu.memory_space<semaphore_mem>>) {add = true}
        %dma_wait3A_77 = arith.constant 0 : i32
        %dma_wait3A_78 = arith.constant 0 : i32
        %dma_wait3A_79 = tpu.memref_slice %arg13[%dma_wait3A_77, %dma_wait3A_78] : memref<10240x128xf32, #tpu.memory_space<vmem_shared>> -> memref<10240x128xf32, #tpu.memory_space<vmem_shared>>
        tpu.wait_indirect_dma semaphore(%run_scoped3A : memref<!tpu.dma_semaphore, #tpu.memory_space<semaphore_mem>>) src(%arg11 : memref<128x128xf32, #tpu.memory_space<vmem>>) dst(%dma_wait3A_79 : memref<10240x128xf32, #tpu.memory_space<vmem_shared>>)
        tpu.yield
      }) : () -> ()
      %add3A_43 = arith.constant 2 : i32
      %add3A_44 = arith.addi %mul3A_33, %add3A_43 : i32
      %mul3A_45 = arith.constant 128 : i32
      %mul3A_46 = arith.muli %add3A_44, %mul3A_45 : i32
      %add3A_47 = arith.addi %mul3A_2, %mul3A_46 : i32
      %min3A_48 = arith.constant 323456 : i32
      %min3A_49 = arith.minsi %add3A_47, %min3A_48 : i32
      "tpu.region"() ({
        %run_scoped3A = tpu.sem_alloc : memref<!tpu.dma_semaphore, #tpu.memory_space<semaphore_mem>>
        %dma_start3A_74 = tpu.memref_slice %arg3[%arg0, %min3A_49] : memref<2x323584xi32, #tpu.memory_space<hbm>> -> memref<1x128xi32, #tpu.memory_space<hbm>>
        %dma_start3A_75 = tpu.memref_squeeze %dma_start3A_74 : memref<1x128xi32, #tpu.memory_space<hbm>> -> memref<128xi32, #tpu.memory_space<hbm>>
        %dma_start3A_76 = tpu.memref_slice %arg3[%arg0, %min3A_49] : memref<2x323584xi32, #tpu.memory_space<hbm>> -> memref<1x128xi32, #tpu.memory_space<hbm>>
        %dma_start3A_77 = tpu.memref_squeeze %dma_start3A_76 : memref<1x128xi32, #tpu.memory_space<hbm>> -> memref<128xi32, #tpu.memory_space<hbm>>
        tpu.enqueue_dma source(%dma_start3A_77 : memref<128xi32, #tpu.memory_space<hbm>>) target(%arg7 : memref<128xi32, #tpu.memory_space<vmem>>) target_semaphore(%run_scoped3A : memref<!tpu.dma_semaphore, #tpu.memory_space<semaphore_mem>>)
        %dma_wait3A_78 = tpu.memref_slice %arg3[%arg0, %min3A_49] : memref<2x323584xi32, #tpu.memory_space<hbm>> -> memref<1x128xi32, #tpu.memory_space<hbm>>
        %dma_wait3A_79 = tpu.memref_squeeze %dma_wait3A_78 : memref<1x128xi32, #tpu.memory_space<hbm>> -> memref<128xi32, #tpu.memory_space<hbm>>
        %dma_wait3A_80 = tpu.memref_slice %arg3[%arg0, %min3A_49] : memref<2x323584xi32, #tpu.memory_space<hbm>> -> memref<1x128xi32, #tpu.memory_space<hbm>>
        %dma_wait3A_81 = tpu.memref_squeeze %dma_wait3A_80 : memref<1x128xi32, #tpu.memory_space<hbm>> -> memref<128xi32, #tpu.memory_space<hbm>>
        tpu.wait_dma2 semaphore(%run_scoped3A : memref<!tpu.dma_semaphore, #tpu.memory_space<semaphore_mem>>) src(%dma_wait3A_81 : memref<128xi32, #tpu.memory_space<hbm>>) dst(%arg7 : memref<128xi32, #tpu.memory_space<vmem>>)
        tpu.yield
      }) : () -> ()
      %dma_start3A_50 = arith.constant 0 : i32
      %dma_start3A_51 = arith.constant 0 : i32
      %dma_start3A_52 = tpu.memref_slice %arg2[%dma_start3A_50, %dma_start3A_51] : memref<20000x128xf32, #tpu.memory_space<hbm>> -> memref<20000x128xf32, #tpu.memory_space<hbm>>
      tpu.enqueue_indirect_dma source(%dma_start3A_52 : memref<20000x128xf32, #tpu.memory_space<hbm>>) target(%arg11 : memref<128x128xf32, #tpu.memory_space<vmem>>) offsets(%arg7 : memref<128xi32, #tpu.memory_space<vmem>>) semaphore(%arg14 : memref<!tpu.dma_semaphore, #tpu.memory_space<semaphore_mem>>)
      %dma_wait3A_53 = arith.constant 0 : i32
      %dma_wait3A_54 = arith.constant 0 : i32
      %dma_wait3A_55 = tpu.memref_slice %arg2[%dma_wait3A_53, %dma_wait3A_54] : memref<20000x128xf32, #tpu.memory_space<hbm>> -> memref<128x128xf32, #tpu.memory_space<hbm>>
      %dma_wait3A_56 = arith.constant 0 : i32
      %dma_wait3A_57 = arith.constant 0 : i32
      %dma_wait3A_58 = tpu.memref_slice %arg2[%dma_wait3A_56, %dma_wait3A_57] : memref<20000x128xf32, #tpu.memory_space<hbm>> -> memref<128x128xf32, #tpu.memory_space<hbm>>
      tpu.wait_dma2 semaphore(%arg15 : memref<!tpu.dma_semaphore, #tpu.memory_space<semaphore_mem>>) src(%dma_wait3A_58 : memref<128x128xf32, #tpu.memory_space<hbm>>) dst(%arg12 : memref<128x128xf32, #tpu.memory_space<vmem>>)
      %add3A_59 = arith.constant 1 : i32
      %add3A_60 = arith.addi %mul3A_33, %add3A_59 : i32
      %mul3A_61 = arith.constant 128 : i32
      %mul3A_62 = arith.muli %add3A_60, %mul3A_61 : i32
      %add3A_63 = arith.addi %mul3A_2, %mul3A_62 : i32
      "tpu.region"() ({
        %run_scoped3A = tpu.sem_alloc : memref<!tpu.dma_semaphore, #tpu.memory_space<semaphore_mem>>
        %dma_start3A_74 = tpu.memref_slice %arg4[%add3A_63] : memref<323584xi32, #tpu.memory_space<hbm>> -> memref<128xi32, #tpu.memory_space<hbm>>
        %dma_start3A_75 = tpu.memref_slice %arg4[%add3A_63] : memref<323584xi32, #tpu.memory_space<hbm>> -> memref<128xi32, #tpu.memory_space<hbm>>
        tpu.enqueue_dma source(%dma_start3A_75 : memref<128xi32, #tpu.memory_space<hbm>>) target(%arg10 : memref<128xi32, #tpu.memory_space<vmem>>) target_semaphore(%run_scoped3A : memref<!tpu.dma_semaphore, #tpu.memory_space<semaphore_mem>>)
        %dma_wait3A_76 = tpu.memref_slice %arg4[%add3A_63] : memref<323584xi32, #tpu.memory_space<hbm>> -> memref<128xi32, #tpu.memory_space<hbm>>
        %dma_wait3A_77 = tpu.memref_slice %arg4[%add3A_63] : memref<323584xi32, #tpu.memory_space<hbm>> -> memref<128xi32, #tpu.memory_space<hbm>>
        tpu.wait_dma2 semaphore(%run_scoped3A : memref<!tpu.dma_semaphore, #tpu.memory_space<semaphore_mem>>) src(%dma_wait3A_77 : memref<128xi32, #tpu.memory_space<hbm>>) dst(%arg10 : memref<128xi32, #tpu.memory_space<vmem>>)
        tpu.yield
      }) : () -> ()
      "tpu.region"() ({
        %run_scoped3A = tpu.sem_alloc : memref<!tpu.dma_semaphore, #tpu.memory_space<semaphore_mem>>
        %dma_start3A_74 = arith.constant 0 : i32
        %dma_start3A_75 = arith.constant 0 : i32
        %dma_start3A_76 = tpu.memref_slice %arg13[%dma_start3A_74, %dma_start3A_75] : memref<10240x128xf32, #tpu.memory_space<vmem_shared>> -> memref<10240x128xf32, #tpu.memory_space<vmem_shared>>
        tpu.enqueue_indirect_dma source(%arg12 : memref<128x128xf32, #tpu.memory_space<vmem>>) target(%dma_start3A_76 : memref<10240x128xf32, #tpu.memory_space<vmem_shared>>) offsets(%arg10 : memref<128xi32, #tpu.memory_space<vmem>>) semaphore(%run_scoped3A : memref<!tpu.dma_semaphore, #tpu.memory_space<semaphore_mem>>) {add = true}
        %dma_wait3A_77 = arith.constant 0 : i32
        %dma_wait3A_78 = arith.constant 0 : i32
        %dma_wait3A_79 = tpu.memref_slice %arg13[%dma_wait3A_77, %dma_wait3A_78] : memref<10240x128xf32, #tpu.memory_space<vmem_shared>> -> memref<10240x128xf32, #tpu.memory_space<vmem_shared>>
        tpu.wait_indirect_dma semaphore(%run_scoped3A : memref<!tpu.dma_semaphore, #tpu.memory_space<semaphore_mem>>) src(%arg12 : memref<128x128xf32, #tpu.memory_space<vmem>>) dst(%dma_wait3A_79 : memref<10240x128xf32, #tpu.memory_space<vmem_shared>>)
        tpu.yield
      }) : () -> ()
      %add3A_64 = arith.constant 3 : i32
      %add3A_65 = arith.addi %mul3A_33, %add3A_64 : i32
      %mul3A_66 = arith.constant 128 : i32
      %mul3A_67 = arith.muli %add3A_65, %mul3A_66 : i32
      %add3A_68 = arith.addi %mul3A_2, %mul3A_67 : i32
      %min3A_69 = arith.constant 323456 : i32
      %min3A_70 = arith.minsi %add3A_68, %min3A_69 : i32
      "tpu.region"() ({
        %run_scoped3A = tpu.sem_alloc : memref<!tpu.dma_semaphore, #tpu.memory_space<semaphore_mem>>
        %dma_start3A_74 = tpu.memref_slice %arg3[%arg0, %min3A_70] : memref<2x323584xi32, #tpu.memory_space<hbm>> -> memref<1x128xi32, #tpu.memory_space<hbm>>
        %dma_start3A_75 = tpu.memref_squeeze %dma_start3A_74 : memref<1x128xi32, #tpu.memory_space<hbm>> -> memref<128xi32, #tpu.memory_space<hbm>>
        %dma_start3A_76 = tpu.memref_slice %arg3[%arg0, %min3A_70] : memref<2x323584xi32, #tpu.memory_space<hbm>> -> memref<1x128xi32, #tpu.memory_space<hbm>>
        %dma_start3A_77 = tpu.memref_squeeze %dma_start3A_76 : memref<1x128xi32, #tpu.memory_space<hbm>> -> memref<128xi32, #tpu.memory_space<hbm>>
        tpu.enqueue_dma source(%dma_start3A_77 : memref<128xi32, #tpu.memory_space<hbm>>) target(%arg8 : memref<128xi32, #tpu.memory_space<vmem>>) target_semaphore(%run_scoped3A : memref<!tpu.dma_semaphore, #tpu.memory_space<semaphore_mem>>)
        %dma_wait3A_78 = tpu.memref_slice %arg3[%arg0, %min3A_70] : memref<2x323584xi32, #tpu.memory_space<hbm>> -> memref<1x128xi32, #tpu.memory_space<hbm>>
        %dma_wait3A_79 = tpu.memref_squeeze %dma_wait3A_78 : memref<1x128xi32, #tpu.memory_space<hbm>> -> memref<128xi32, #tpu.memory_space<hbm>>
        %dma_wait3A_80 = tpu.memref_slice %arg3[%arg0, %min3A_70] : memref<2x323584xi32, #tpu.memory_space<hbm>> -> memref<1x128xi32, #tpu.memory_space<hbm>>
        %dma_wait3A_81 = tpu.memref_squeeze %dma_wait3A_80 : memref<1x128xi32, #tpu.memory_space<hbm>> -> memref<128xi32, #tpu.memory_space<hbm>>
        tpu.wait_dma2 semaphore(%run_scoped3A : memref<!tpu.dma_semaphore, #tpu.memory_space<semaphore_mem>>) src(%dma_wait3A_81 : memref<128xi32, #tpu.memory_space<hbm>>) dst(%arg8 : memref<128xi32, #tpu.memory_space<vmem>>)
        tpu.yield
      }) : () -> ()
      %dma_start3A_71 = arith.constant 0 : i32
      %dma_start3A_72 = arith.constant 0 : i32
      %dma_start3A_73 = tpu.memref_slice %arg2[%dma_start3A_71, %dma_start3A_72] : memref<20000x128xf32, #tpu.memory_space<hbm>> -> memref<20000x128xf32, #tpu.memory_space<hbm>>
      tpu.enqueue_indirect_dma source(%dma_start3A_73 : memref<20000x128xf32, #tpu.memory_space<hbm>>) target(%arg12 : memref<128x128xf32, #tpu.memory_space<vmem>>) offsets(%arg8 : memref<128xi32, #tpu.memory_space<vmem>>) semaphore(%arg15 : memref<!tpu.dma_semaphore, #tpu.memory_space<semaphore_mem>>)
    }
    %scan3A_18 = arith.constant 79 : i32
    %dma_wait3A = arith.constant 0 : i32
    %dma_wait3A_19 = arith.constant 0 : i32
    %dma_wait3A_20 = tpu.memref_slice %arg2[%dma_wait3A, %dma_wait3A_19] : memref<20000x128xf32, #tpu.memory_space<hbm>> -> memref<128x128xf32, #tpu.memory_space<hbm>>
    %dma_wait3A_21 = arith.constant 0 : i32
    %dma_wait3A_22 = arith.constant 0 : i32
    %dma_wait3A_23 = tpu.memref_slice %arg2[%dma_wait3A_21, %dma_wait3A_22] : memref<20000x128xf32, #tpu.memory_space<hbm>> -> memref<128x128xf32, #tpu.memory_space<hbm>>
    tpu.wait_dma2 semaphore(%arg14 : memref<!tpu.dma_semaphore, #tpu.memory_space<semaphore_mem>>) src(%dma_wait3A_23 : memref<128x128xf32, #tpu.memory_space<hbm>>) dst(%arg11 : memref<128x128xf32, #tpu.memory_space<vmem>>)
    %dma_wait3A_24 = arith.constant 0 : i32
    %dma_wait3A_25 = arith.constant 0 : i32
    %dma_wait3A_26 = tpu.memref_slice %arg2[%dma_wait3A_24, %dma_wait3A_25] : memref<20000x128xf32, #tpu.memory_space<hbm>> -> memref<128x128xf32, #tpu.memory_space<hbm>>
    %dma_wait3A_27 = arith.constant 0 : i32
    %dma_wait3A_28 = arith.constant 0 : i32
    %dma_wait3A_29 = tpu.memref_slice %arg2[%dma_wait3A_27, %dma_wait3A_28] : memref<20000x128xf32, #tpu.memory_space<hbm>> -> memref<128x128xf32, #tpu.memory_space<hbm>>
    tpu.wait_dma2 semaphore(%arg15 : memref<!tpu.dma_semaphore, #tpu.memory_space<semaphore_mem>>) src(%dma_wait3A_29 : memref<128x128xf32, #tpu.memory_space<hbm>>) dst(%arg12 : memref<128x128xf32, #tpu.memory_space<vmem>>)
    %barrier3A_30 = arith.constant 0 : index
    tpu.barrier barrier_id(%barrier3A_30)
    "tpu.region"() ({
      %run_scoped3A = tpu.sem_alloc : memref<!tpu.dma_semaphore, #tpu.memory_space<semaphore_mem>>
      %dma_start3A_31 = arith.constant 0 : i32
      %dma_start3A_32 = tpu.memref_slice %arg6[%arg0, %mul3A_0, %dma_start3A_31] : memref<2x10240x128xf32, #tpu.memory_space<hbm>> -> memref<1x640x128xf32, #tpu.memory_space<hbm>>
      %dma_start3A_33 = tpu.memref_squeeze %dma_start3A_32 : memref<1x640x128xf32, #tpu.memory_space<hbm>> -> memref<640x128xf32, #tpu.memory_space<hbm>>
      %dma_start3A_34 = arith.constant 0 : i32
      %dma_start3A_35 = tpu.memref_slice %arg13[%mul3A_0, %dma_start3A_34] : memref<10240x128xf32, #tpu.memory_space<vmem_shared>> -> memref<640x128xf32, #tpu.memory_space<vmem_shared>>
      tpu.enqueue_dma source(%dma_start3A_35 : memref<640x128xf32, #tpu.memory_space<vmem_shared>>) target(%dma_start3A_33 : memref<640x128xf32, #tpu.memory_space<hbm>>) target_semaphore(%run_scoped3A : memref<!tpu.dma_semaphore, #tpu.memory_space<semaphore_mem>>)
      %dma_wait3A_36 = arith.constant 0 : i32
      %dma_wait3A_37 = tpu.memref_slice %arg6[%arg0, %mul3A_0, %dma_wait3A_36] : memref<2x10240x128xf32, #tpu.memory_space<hbm>> -> memref<1x640x128xf32, #tpu.memory_space<hbm>>
      %dma_wait3A_38 = tpu.memref_squeeze %dma_wait3A_37 : memref<1x640x128xf32, #tpu.memory_space<hbm>> -> memref<640x128xf32, #tpu.memory_space<hbm>>
      %dma_wait3A_39 = arith.constant 0 : i32
      %dma_wait3A_40 = tpu.memref_slice %arg13[%mul3A_0, %dma_wait3A_39] : memref<10240x128xf32, #tpu.memory_space<vmem_shared>> -> memref<640x128xf32, #tpu.memory_space<vmem_shared>>
      tpu.wait_dma2 semaphore(%run_scoped3A : memref<!tpu.dma_semaphore, #tpu.memory_space<semaphore_mem>>) src(%dma_wait3A_40 : memref<640x128xf32, #tpu.memory_space<vmem_shared>>) dst(%dma_wait3A_38 : memref<640x128xf32, #tpu.memory_space<hbm>>)
      tpu.yield
    }) : () -> ()
    return
  }
}

module attributes {stable_mosaic.version = 14 : i64} {
  func.func @_mm1_body(%arg0: i32, %arg1: memref<400x128xf32, #tpu.memory_space<vmem>>, %arg2: memref<2x400x128xf32, #tpu.memory_space<vmem>>, %arg3: memref<128x256xf32, #tpu.memory_space<vmem>>, %arg4: memref<1x256xf32, #tpu.memory_space<vmem>>, %arg5: memref<400x256xf32, #tpu.memory_space<vmem>>, %arg6: memref<2x256xf32, #tpu.memory_space<vmem>>) attributes {dimension_semantics = [#tpu.dimension_semantics<arbitrary>], iteration_bounds = array<i64: 25>, scalar_prefetch = 0 : i64, scratch_operands = 0 : i64, tpu.core_type = #tpu.core_type<tc>, window_params = [{transform_indices = @transform_0, window_bounds = array<i64: 400, 128>}, {transform_indices = @transform_1, window_bounds = array<i64: 2, 400, 128>}, {pipeline_mode = #tpu.pipeline_mode<synchronous>, transform_indices = @transform_2, window_bounds = array<i64: 128, 256>}, {pipeline_mode = #tpu.pipeline_mode<synchronous>, transform_indices = @transform_3, window_bounds = array<i64: 1, 256>}, {transform_indices = @transform_4, window_bounds = array<i64: 400, 256>}, {pipeline_mode = #tpu.pipeline_mode<synchronous>, transform_indices = @transform_5, window_bounds = array<i64: 2, 256>}]} {
    %get3A = arith.constant 0 : index
    %get3A_0 = arith.constant 0 : index
    %get3A_1 = vector.load %arg1[%get3A, %get3A_0] : memref<400x128xf32, #tpu.memory_space<vmem>>, vector<400x128xf32>
    %get3A_2 = arith.constant 0 : index
    %get3A_3 = arith.constant 0 : index
    %get3A_4 = arith.constant 0 : index
    %get3A_5 = vector.load %arg2[%get3A_2, %get3A_3, %get3A_4] : memref<2x400x128xf32, #tpu.memory_space<vmem>>, vector<1x400x128xf32>
    %get3A_6 = vector.shape_cast %get3A_5 : vector<1x400x128xf32> to vector<400x128xf32>
    %add3A = arith.addf %get3A_1, %get3A_6 : vector<400x128xf32>
    %get3A_7 = arith.constant 1 : index
    %get3A_8 = arith.constant 0 : index
    %get3A_9 = arith.constant 0 : index
    %get3A_10 = vector.load %arg2[%get3A_7, %get3A_8, %get3A_9] : memref<2x400x128xf32, #tpu.memory_space<vmem>>, vector<1x400x128xf32>
    %get3A_11 = vector.shape_cast %get3A_10 : vector<1x400x128xf32> to vector<400x128xf32>
    %add3A_12 = arith.addf %add3A, %get3A_11 : vector<400x128xf32>
    %get3A_13 = arith.constant 0 : index
    %get3A_14 = arith.constant 0 : index
    %get3A_15 = vector.load %arg3[%get3A_13, %get3A_14] : memref<128x256xf32, #tpu.memory_space<vmem>>, vector<128x256xf32>
    %dot_general3A = arith.constant dense<0.000000e+00> : vector<400x256xf32>
    %dot_general3A_16 = tpu.matmul %add3A_12, %get3A_15, %dot_general3A {dimension_numbers = #tpu.dot_dimension_numbers<[1], [0], [0], [1], [0, 0, 1, 1], [], []>, transpose_lhs_hint = false} : vector<400x128xf32>, vector<128x256xf32>, vector<400x256xf32> -> vector<400x256xf32>
    %get3A_17 = arith.constant 0 : index
    %get3A_18 = arith.constant 0 : index
    %get3A_19 = vector.load %arg4[%get3A_17, %get3A_18] : memref<1x256xf32, #tpu.memory_space<vmem>>, vector<1x256xf32>
    %add3A_20 = vector.broadcast %get3A_19 : vector<1x256xf32> to vector<400x256xf32>
    %add3A_21 = arith.addf %dot_general3A_16, %add3A_20 : vector<400x256xf32>
    %swap3A = arith.constant 0 : index
    %swap3A_22 = arith.constant 0 : index
    %swap3A_23 = vector.load %arg5[%swap3A, %swap3A_22] : memref<400x256xf32, #tpu.memory_space<vmem>>, vector<400x256xf32>
    tpu.vector_store %arg5[%swap3A, %swap3A_22], %add3A_21 {strides = array<i32>} : memref<400x256xf32, #tpu.memory_space<vmem>>, vector<400x256xf32>,
    %eq3A = arith.constant 0 : i32
    %eq3A_24 = arith.cmpi eq, %arg0, %eq3A : i32
    %convert_element_type3A = arith.extui %eq3A_24 : i1 to i32
    %cond3A = arith.constant 0 : i32
    %cond3A_25 = arith.cmpi ne, %convert_element_type3A, %cond3A : i32
    scf.if %cond3A_25 {
      %broadcast_in_dim3A_44 = arith.constant 0.000000e+00 : f32
      %broadcast_in_dim3A_45 = vector.broadcast %broadcast_in_dim3A_44 : f32 to vector<2x256xf32>
      %swap3A_46 = arith.constant 0 : index
      %swap3A_47 = arith.constant 0 : index
      %swap3A_48 = vector.load %arg6[%swap3A_46, %swap3A_47] : memref<2x256xf32, #tpu.memory_space<vmem>>, vector<2x256xf32>
      tpu.vector_store %arg6[%swap3A_46, %swap3A_47], %broadcast_in_dim3A_45 {strides = array<i32>} : memref<2x256xf32, #tpu.memory_space<vmem>>, vector<2x256xf32>,
    } else {
    }
    %get3A_26 = arith.constant 0 : index
    %get3A_27 = arith.constant 0 : index
    %get3A_28 = vector.load %arg6[%get3A_26, %get3A_27] : memref<2x256xf32, #tpu.memory_space<vmem>>, vector<1x256xf32>
    %reduce_sum3A = arith.constant dense<0.000000e+00> : vector<256xf32>
    %reduce_sum3A_29 = vector.multi_reduction <add>, %add3A_21, %reduce_sum3A [0] : vector<400x256xf32> to vector<256xf32>
    %broadcast_in_dim3A = vector.shape_cast %reduce_sum3A_29 : vector<256xf32> to vector<1x256xf32>
    %add3A_30 = arith.addf %get3A_28, %broadcast_in_dim3A : vector<1x256xf32>
    %swap3A_31 = arith.constant 0 : index
    %swap3A_32 = arith.constant 0 : index
    %swap3A_33 = vector.load %arg6[%swap3A_31, %swap3A_32] : memref<2x256xf32, #tpu.memory_space<vmem>>, vector<1x256xf32>
    tpu.vector_store %arg6[%swap3A_31, %swap3A_32], %add3A_30 {strides = array<i32>} : memref<2x256xf32, #tpu.memory_space<vmem>>, vector<1x256xf32>,
    %get3A_34 = arith.constant 1 : index
    %get3A_35 = arith.constant 0 : index
    %get3A_36 = vector.load %arg6[%get3A_34, %get3A_35] : memref<2x256xf32, #tpu.memory_space<vmem>>, vector<1x256xf32>
    %mul3A = arith.mulf %add3A_21, %add3A_21 : vector<400x256xf32>
    %reduce_sum3A_37 = arith.constant dense<0.000000e+00> : vector<256xf32>
    %reduce_sum3A_38 = vector.multi_reduction <add>, %mul3A, %reduce_sum3A_37 [0] : vector<400x256xf32> to vector<256xf32>
    %broadcast_in_dim3A_39 = vector.shape_cast %reduce_sum3A_38 : vector<256xf32> to vector<1x256xf32>
    %add3A_40 = arith.addf %get3A_36, %broadcast_in_dim3A_39 : vector<1x256xf32>
    %swap3A_41 = arith.constant 1 : index
    %swap3A_42 = arith.constant 0 : index
    %swap3A_43 = vector.load %arg6[%swap3A_41, %swap3A_42] : memref<2x256xf32, #tpu.memory_space<vmem>>, vector<1x256xf32>
    tpu.vector_store %arg6[%swap3A_41, %swap3A_42], %add3A_40 {strides = array<i32>} : memref<2x256xf32, #tpu.memory_space<vmem>>, vector<1x256xf32>,
    return
  }
  func.func @transform_0(%arg0: i32) -> (i32, i32) {
    %c0_i32 = arith.constant 0 : i32
    %c0_i32_0 = arith.constant 0 : i32
    return %arg0, %c0_i32 : i32, i32
  }
  func.func @transform_1(%arg0: i32) -> (i32, i32, i32) {
    %c0_i32 = arith.constant 0 : i32
    %c0_i32_0 = arith.constant 0 : i32
    %c0_i32_1 = arith.constant 0 : i32
    return %c0_i32, %arg0, %c0_i32_0 : i32, i32, i32
  }
  func.func @transform_2(%arg0: i32) -> (i32, i32) {
    %c0_i32 = arith.constant 0 : i32
    %c0_i32_0 = arith.constant 0 : i32
    %c0_i32_1 = arith.constant 0 : i32
    return %c0_i32, %c0_i32_0 : i32, i32
  }
  func.func @transform_3(%arg0: i32) -> (i32, i32) {
    %c0_i32 = arith.constant 0 : i32
    %c0_i32_0 = arith.constant 0 : i32
    %c0_i32_1 = arith.constant 0 : i32
    return %c0_i32, %c0_i32_0 : i32, i32
  }
  func.func @transform_4(%arg0: i32) -> (i32, i32) {
    %c0_i32 = arith.constant 0 : i32
    %c0_i32_0 = arith.constant 0 : i32
    return %arg0, %c0_i32 : i32, i32
  }
  func.func @transform_5(%arg0: i32) -> (i32, i32) {
    %c0_i32 = arith.constant 0 : i32
    %c0_i32_0 = arith.constant 0 : i32
    %c0_i32_1 = arith.constant 0 : i32
    return %c0_i32, %c0_i32_0 : i32, i32
  }
}

module attributes {stable_mosaic.version = 14 : i64} {
  func.func @_bnrelu_body(%arg0: i32, %arg1: memref<400x256xf32, #tpu.memory_space<vmem>>, %arg2: memref<2x256xf32, #tpu.memory_space<vmem>>, %arg3: memref<1x256xf32, #tpu.memory_space<vmem>>, %arg4: memref<1x256xf32, #tpu.memory_space<vmem>>, %arg5: memref<2x400x128xf32, #tpu.memory_space<vmem>>) attributes {dimension_semantics = [#tpu.dimension_semantics<arbitrary>], iteration_bounds = array<i64: 25>, scalar_prefetch = 0 : i64, scratch_operands = 0 : i64, tpu.core_type = #tpu.core_type<tc>, window_params = [{transform_indices = @transform_0, window_bounds = array<i64: 400, 256>}, {pipeline_mode = #tpu.pipeline_mode<synchronous>, transform_indices = @transform_1, window_bounds = array<i64: 2, 256>}, {pipeline_mode = #tpu.pipeline_mode<synchronous>, transform_indices = @transform_2, window_bounds = array<i64: 1, 256>}, {pipeline_mode = #tpu.pipeline_mode<synchronous>, transform_indices = @transform_3, window_bounds = array<i64: 1, 256>}, {transform_indices = @transform_4, window_bounds = array<i64: 2, 400, 128>}]} {
    %get3A = arith.constant 0 : index
    %get3A_0 = arith.constant 0 : index
    %get3A_1 = vector.load %arg1[%get3A, %get3A_0] : memref<400x256xf32, #tpu.memory_space<vmem>>, vector<400x256xf32>
    %get3A_2 = arith.constant 0 : index
    %get3A_3 = arith.constant 0 : index
    %get3A_4 = vector.load %arg2[%get3A_2, %get3A_3] : memref<2x256xf32, #tpu.memory_space<vmem>>, vector<1x256xf32>
    %div3A = arith.constant 1.000000e+04 : f32
    %div3A_5 = vector.broadcast %div3A : f32 to vector<1x256xf32>
    %div3A_6 = arith.divf %get3A_4, %div3A_5 : vector<1x256xf32>
    %get3A_7 = arith.constant 1 : index
    %get3A_8 = arith.constant 0 : index
    %get3A_9 = vector.load %arg2[%get3A_7, %get3A_8] : memref<2x256xf32, #tpu.memory_space<vmem>>, vector<1x256xf32>
    %div3A_10 = arith.constant 1.000000e+04 : f32
    %div3A_11 = vector.broadcast %div3A_10 : f32 to vector<1x256xf32>
    %div3A_12 = arith.divf %get3A_9, %div3A_11 : vector<1x256xf32>
    %mul3A = arith.mulf %div3A_6, %div3A_6 : vector<1x256xf32>
    %sub3A = arith.subf %div3A_12, %mul3A : vector<1x256xf32>
    %add3A = arith.constant 9.99999974E-6 : f32
    %add3A_13 = vector.broadcast %add3A : f32 to vector<1x256xf32>
    %add3A_14 = arith.addf %sub3A, %add3A_13 : vector<1x256xf32>
    %rsqrt3A = math.rsqrt %add3A_14 : vector<1x256xf32>
    %sub3A_15 = vector.broadcast %div3A_6 : vector<1x256xf32> to vector<400x256xf32>
    %sub3A_16 = arith.subf %get3A_1, %sub3A_15 : vector<400x256xf32>
    %mul3A_17 = vector.broadcast %rsqrt3A : vector<1x256xf32> to vector<400x256xf32>
    %mul3A_18 = arith.mulf %sub3A_16, %mul3A_17 : vector<400x256xf32>
    %get3A_19 = arith.constant 0 : index
    %get3A_20 = arith.constant 0 : index
    %get3A_21 = vector.load %arg3[%get3A_19, %get3A_20] : memref<1x256xf32, #tpu.memory_space<vmem>>, vector<1x256xf32>
    %mul3A_22 = vector.broadcast %get3A_21 : vector<1x256xf32> to vector<400x256xf32>
    %mul3A_23 = arith.mulf %mul3A_18, %mul3A_22 : vector<400x256xf32>
    %get3A_24 = arith.constant 0 : index
    %get3A_25 = arith.constant 0 : index
    %get3A_26 = vector.load %arg4[%get3A_24, %get3A_25] : memref<1x256xf32, #tpu.memory_space<vmem>>, vector<1x256xf32>
    %add3A_27 = vector.broadcast %get3A_26 : vector<1x256xf32> to vector<400x256xf32>
    %add3A_28 = arith.addf %mul3A_23, %add3A_27 : vector<400x256xf32>
    %max3A = arith.constant 0.000000e+00 : f32
    %max3A_29 = vector.broadcast %max3A : f32 to vector<400x256xf32>
    %max3A_30 = arith.maximumf %add3A_28, %max3A_29 : vector<400x256xf32>
    %slice3A = vector.extract_strided_slice %max3A_30 {offsets = [0, 0], sizes = [400, 128], strides = [1, 1]} : vector<400x256xf32> to vector<400x128xf32>
    %swap3A = arith.constant 0 : index
    %swap3A_31 = arith.constant 0 : index
    %swap3A_32 = arith.constant 0 : index
    %swap3A_33 = vector.load %arg5[%swap3A, %swap3A_31, %swap3A_32] : memref<2x400x128xf32, #tpu.memory_space<vmem>>, vector<1x400x128xf32>
    %swap3A_34 = vector.shape_cast %swap3A_33 : vector<1x400x128xf32> to vector<400x128xf32>
    %swap3A_35 = vector.shape_cast %slice3A : vector<400x128xf32> to vector<1x400x128xf32>
    tpu.vector_store %arg5[%swap3A, %swap3A_31, %swap3A_32], %swap3A_35 {strides = array<i32>} : memref<2x400x128xf32, #tpu.memory_space<vmem>>, vector<1x400x128xf32>,
    %slice3A_36 = vector.extract_strided_slice %max3A_30 {offsets = [0, 128], sizes = [400, 128], strides = [1, 1]} : vector<400x256xf32> to vector<400x128xf32>
    %swap3A_37 = arith.constant 1 : index
    %swap3A_38 = arith.constant 0 : index
    %swap3A_39 = arith.constant 0 : index
    %swap3A_40 = vector.load %arg5[%swap3A_37, %swap3A_38, %swap3A_39] : memref<2x400x128xf32, #tpu.memory_space<vmem>>, vector<1x400x128xf32>
    %swap3A_41 = vector.shape_cast %swap3A_40 : vector<1x400x128xf32> to vector<400x128xf32>
    %swap3A_42 = vector.shape_cast %slice3A_36 : vector<400x128xf32> to vector<1x400x128xf32>
    tpu.vector_store %arg5[%swap3A_37, %swap3A_38, %swap3A_39], %swap3A_42 {strides = array<i32>} : memref<2x400x128xf32, #tpu.memory_space<vmem>>, vector<1x400x128xf32>,
    return
  }
  func.func @transform_0(%arg0: i32) -> (i32, i32) {
    %c0_i32 = arith.constant 0 : i32
    %c0_i32_0 = arith.constant 0 : i32
    return %arg0, %c0_i32 : i32, i32
  }
  func.func @transform_1(%arg0: i32) -> (i32, i32) {
    %c0_i32 = arith.constant 0 : i32
    %c0_i32_0 = arith.constant 0 : i32
    %c0_i32_1 = arith.constant 0 : i32
    return %c0_i32, %c0_i32_0 : i32, i32
  }
  func.func @transform_2(%arg0: i32) -> (i32, i32) {
    %c0_i32 = arith.constant 0 : i32
    %c0_i32_0 = arith.constant 0 : i32
    %c0_i32_1 = arith.constant 0 : i32
    return %c0_i32, %c0_i32_0 : i32, i32
  }
  func.func @transform_3(%arg0: i32) -> (i32, i32) {
    %c0_i32 = arith.constant 0 : i32
    %c0_i32_0 = arith.constant 0 : i32
    %c0_i32_1 = arith.constant 0 : i32
    return %c0_i32, %c0_i32_0 : i32, i32
  }
  func.func @transform_4(%arg0: i32) -> (i32, i32, i32) {
    %c0_i32 = arith.constant 0 : i32
    %c0_i32_0 = arith.constant 0 : i32
    %c0_i32_1 = arith.constant 0 : i32
    return %c0_i32, %arg0, %c0_i32_0 : i32, i32, i32
  }
}

module attributes {stable_mosaic.version = 14 : i64} {
  func.func @_mm23_body(%arg0: i32, %arg1: memref<2x400x128xf32, #tpu.memory_space<vmem>>, %arg2: memref<2x400x128xf32, #tpu.memory_space<vmem>>, %arg3: memref<256x256xf32, #tpu.memory_space<vmem>>, %arg4: memref<1x256xf32, #tpu.memory_space<vmem>>, %arg5: memref<400x256xf32, #tpu.memory_space<vmem>>, %arg6: memref<2x256xf32, #tpu.memory_space<vmem>>) attributes {dimension_semantics = [#tpu.dimension_semantics<arbitrary>], iteration_bounds = array<i64: 25>, scalar_prefetch = 0 : i64, scratch_operands = 0 : i64, tpu.core_type = #tpu.core_type<tc>, window_params = [{transform_indices = @transform_0, window_bounds = array<i64: 2, 400, 128>}, {transform_indices = @transform_1, window_bounds = array<i64: 2, 400, 128>}, {pipeline_mode = #tpu.pipeline_mode<synchronous>, transform_indices = @transform_2, window_bounds = array<i64: 256, 256>}, {pipeline_mode = #tpu.pipeline_mode<synchronous>, transform_indices = @transform_3, window_bounds = array<i64: 1, 256>}, {transform_indices = @transform_4, window_bounds = array<i64: 400, 256>}, {pipeline_mode = #tpu.pipeline_mode<synchronous>, transform_indices = @transform_5, window_bounds = array<i64: 2, 256>}]} {
    %get3A = arith.constant 0 : index
    %get3A_0 = arith.constant 0 : index
    %get3A_1 = arith.constant 0 : index
    %get3A_2 = vector.load %arg1[%get3A, %get3A_0, %get3A_1] : memref<2x400x128xf32, #tpu.memory_space<vmem>>, vector<1x400x128xf32>
    %get3A_3 = vector.shape_cast %get3A_2 : vector<1x400x128xf32> to vector<400x128xf32>
    %get3A_4 = arith.constant 0 : index
    %get3A_5 = arith.constant 0 : index
    %get3A_6 = arith.constant 0 : index
    %get3A_7 = vector.load %arg2[%get3A_4, %get3A_5, %get3A_6] : memref<2x400x128xf32, #tpu.memory_space<vmem>>, vector<1x400x128xf32>
    %get3A_8 = vector.shape_cast %get3A_7 : vector<1x400x128xf32> to vector<400x128xf32>
    %add3A = arith.addf %get3A_3, %get3A_8 : vector<400x128xf32>
    %get3A_9 = arith.constant 1 : index
    %get3A_10 = arith.constant 0 : index
    %get3A_11 = arith.constant 0 : index
    %get3A_12 = vector.load %arg1[%get3A_9, %get3A_10, %get3A_11] : memref<2x400x128xf32, #tpu.memory_space<vmem>>, vector<1x400x128xf32>
    %get3A_13 = vector.shape_cast %get3A_12 : vector<1x400x128xf32> to vector<400x128xf32>
    %get3A_14 = arith.constant 1 : index
    %get3A_15 = arith.constant 0 : index
    %get3A_16 = arith.constant 0 : index
    %get3A_17 = vector.load %arg2[%get3A_14, %get3A_15, %get3A_16] : memref<2x400x128xf32, #tpu.memory_space<vmem>>, vector<1x400x128xf32>
    %get3A_18 = vector.shape_cast %get3A_17 : vector<1x400x128xf32> to vector<400x128xf32>
    %add3A_19 = arith.addf %get3A_13, %get3A_18 : vector<400x128xf32>
    %get3A_20 = arith.constant 0 : index
    %get3A_21 = arith.constant 0 : index
    %get3A_22 = vector.load %arg3[%get3A_20, %get3A_21] : memref<256x256xf32, #tpu.memory_space<vmem>>, vector<128x256xf32>
    %dot_general3A = arith.constant dense<0.000000e+00> : vector<400x256xf32>
    %dot_general3A_23 = tpu.matmul %add3A, %get3A_22, %dot_general3A {dimension_numbers = #tpu.dot_dimension_numbers<[1], [0], [0], [1], [0, 0, 1, 1], [], []>, transpose_lhs_hint = false} : vector<400x128xf32>, vector<128x256xf32>, vector<400x256xf32> -> vector<400x256xf32>
    %get3A_24 = arith.constant 128 : index
    %get3A_25 = arith.constant 0 : index
    %get3A_26 = vector.load %arg3[%get3A_24, %get3A_25] : memref<256x256xf32, #tpu.memory_space<vmem>>, vector<128x256xf32>
    %dot_general3A_27 = arith.constant dense<0.000000e+00> : vector<400x256xf32>
    %dot_general3A_28 = tpu.matmul %add3A_19, %get3A_26, %dot_general3A_27 {dimension_numbers = #tpu.dot_dimension_numbers<[1], [0], [0], [1], [0, 0, 1, 1], [], []>, transpose_lhs_hint = false} : vector<400x128xf32>, vector<128x256xf32>, vector<400x256xf32> -> vector<400x256xf32>
    %add3A_29 = arith.addf %dot_general3A_23, %dot_general3A_28 : vector<400x256xf32>
    %get3A_30 = arith.constant 0 : index
    %get3A_31 = arith.constant 0 : index
    %get3A_32 = vector.load %arg4[%get3A_30, %get3A_31] : memref<1x256xf32, #tpu.memory_space<vmem>>, vector<1x256xf32>
    %add3A_33 = vector.broadcast %get3A_32 : vector<1x256xf32> to vector<400x256xf32>
    %add3A_34 = arith.addf %add3A_29, %add3A_33 : vector<400x256xf32>
    %swap3A = arith.constant 0 : index
    %swap3A_35 = arith.constant 0 : index
    %swap3A_36 = vector.load %arg5[%swap3A, %swap3A_35] : memref<400x256xf32, #tpu.memory_space<vmem>>, vector<400x256xf32>
    tpu.vector_store %arg5[%swap3A, %swap3A_35], %add3A_34 {strides = array<i32>} : memref<400x256xf32, #tpu.memory_space<vmem>>, vector<400x256xf32>,
    %eq3A = arith.constant 0 : i32
    %eq3A_37 = arith.cmpi eq, %arg0, %eq3A : i32
    %convert_element_type3A = arith.extui %eq3A_37 : i1 to i32
    %cond3A = arith.constant 0 : i32
    %cond3A_38 = arith.cmpi ne, %convert_element_type3A, %cond3A : i32
    scf.if %cond3A_38 {
      %broadcast_in_dim3A_57 = arith.constant 0.000000e+00 : f32
      %broadcast_in_dim3A_58 = vector.broadcast %broadcast_in_dim3A_57 : f32 to vector<2x256xf32>
      %swap3A_59 = arith.constant 0 : index
      %swap3A_60 = arith.constant 0 : index
      %swap3A_61 = vector.load %arg6[%swap3A_59, %swap3A_60] : memref<2x256xf32, #tpu.memory_space<vmem>>, vector<2x256xf32>
      tpu.vector_store %arg6[%swap3A_59, %swap3A_60], %broadcast_in_dim3A_58 {strides = array<i32>} : memref<2x256xf32, #tpu.memory_space<vmem>>, vector<2x256xf32>,
    } else {
    }
    %get3A_39 = arith.constant 0 : index
    %get3A_40 = arith.constant 0 : index
    %get3A_41 = vector.load %arg6[%get3A_39, %get3A_40] : memref<2x256xf32, #tpu.memory_space<vmem>>, vector<1x256xf32>
    %reduce_sum3A = arith.constant dense<0.000000e+00> : vector<256xf32>
    %reduce_sum3A_42 = vector.multi_reduction <add>, %add3A_34, %reduce_sum3A [0] : vector<400x256xf32> to vector<256xf32>
    %broadcast_in_dim3A = vector.shape_cast %reduce_sum3A_42 : vector<256xf32> to vector<1x256xf32>
    %add3A_43 = arith.addf %get3A_41, %broadcast_in_dim3A : vector<1x256xf32>
    %swap3A_44 = arith.constant 0 : index
    %swap3A_45 = arith.constant 0 : index
    %swap3A_46 = vector.load %arg6[%swap3A_44, %swap3A_45] : memref<2x256xf32, #tpu.memory_space<vmem>>, vector<1x256xf32>
    tpu.vector_store %arg6[%swap3A_44, %swap3A_45], %add3A_43 {strides = array<i32>} : memref<2x256xf32, #tpu.memory_space<vmem>>, vector<1x256xf32>,
    %get3A_47 = arith.constant 1 : index
    %get3A_48 = arith.constant 0 : index
    %get3A_49 = vector.load %arg6[%get3A_47, %get3A_48] : memref<2x256xf32, #tpu.memory_space<vmem>>, vector<1x256xf32>
    %mul3A = arith.mulf %add3A_34, %add3A_34 : vector<400x256xf32>
    %reduce_sum3A_50 = arith.constant dense<0.000000e+00> : vector<256xf32>
    %reduce_sum3A_51 = vector.multi_reduction <add>, %mul3A, %reduce_sum3A_50 [0] : vector<400x256xf32> to vector<256xf32>
    %broadcast_in_dim3A_52 = vector.shape_cast %reduce_sum3A_51 : vector<256xf32> to vector<1x256xf32>
    %add3A_53 = arith.addf %get3A_49, %broadcast_in_dim3A_52 : vector<1x256xf32>
    %swap3A_54 = arith.constant 1 : index
    %swap3A_55 = arith.constant 0 : index
    %swap3A_56 = vector.load %arg6[%swap3A_54, %swap3A_55] : memref<2x256xf32, #tpu.memory_space<vmem>>, vector<1x256xf32>
    tpu.vector_store %arg6[%swap3A_54, %swap3A_55], %add3A_53 {strides = array<i32>} : memref<2x256xf32, #tpu.memory_space<vmem>>, vector<1x256xf32>,
    return
  }
  func.func @transform_0(%arg0: i32) -> (i32, i32, i32) {
    %c0_i32 = arith.constant 0 : i32
    %c0_i32_0 = arith.constant 0 : i32
    %c0_i32_1 = arith.constant 0 : i32
    return %c0_i32, %arg0, %c0_i32_0 : i32, i32, i32
  }
  func.func @transform_1(%arg0: i32) -> (i32, i32, i32) {
    %c0_i32 = arith.constant 0 : i32
    %c0_i32_0 = arith.constant 0 : i32
    %c0_i32_1 = arith.constant 0 : i32
    return %c0_i32, %arg0, %c0_i32_0 : i32, i32, i32
  }
  func.func @transform_2(%arg0: i32) -> (i32, i32) {
    %c0_i32 = arith.constant 0 : i32
    %c0_i32_0 = arith.constant 0 : i32
    %c0_i32_1 = arith.constant 0 : i32
    return %c0_i32, %c0_i32_0 : i32, i32
  }
  func.func @transform_3(%arg0: i32) -> (i32, i32) {
    %c0_i32 = arith.constant 0 : i32
    %c0_i32_0 = arith.constant 0 : i32
    %c0_i32_1 = arith.constant 0 : i32
    return %c0_i32, %c0_i32_0 : i32, i32
  }
  func.func @transform_4(%arg0: i32) -> (i32, i32) {
    %c0_i32 = arith.constant 0 : i32
    %c0_i32_0 = arith.constant 0 : i32
    return %arg0, %c0_i32 : i32, i32
  }
  func.func @transform_5(%arg0: i32) -> (i32, i32) {
    %c0_i32 = arith.constant 0 : i32
    %c0_i32_0 = arith.constant 0 : i32
    %c0_i32_1 = arith.constant 0 : i32
    return %c0_i32, %c0_i32_0 : i32, i32
  }
}

module attributes {stable_mosaic.version = 14 : i64} {
  func.func @_pool_body(%arg0: i32, %arg1: memref<400x256xf32, #tpu.memory_space<vmem>>, %arg2: memref<2x256xf32, #tpu.memory_space<vmem>>, %arg3: memref<1x256xf32, #tpu.memory_space<vmem>>, %arg4: memref<1x256xf32, #tpu.memory_space<vmem>>, %arg5: memref<1x1x400xi32, #tpu.memory_space<vmem>>, %arg6: memref<64x256xf32, #tpu.memory_space<vmem>>) attributes {dimension_semantics = [#tpu.dimension_semantics<arbitrary>], iteration_bounds = array<i64: 25>, scalar_prefetch = 0 : i64, scratch_operands = 0 : i64, tpu.core_type = #tpu.core_type<tc>, window_params = [{transform_indices = @transform_0, window_bounds = array<i64: 400, 256>}, {pipeline_mode = #tpu.pipeline_mode<synchronous>, transform_indices = @transform_1, window_bounds = array<i64: 2, 256>}, {pipeline_mode = #tpu.pipeline_mode<synchronous>, transform_indices = @transform_2, window_bounds = array<i64: 1, 256>}, {pipeline_mode = #tpu.pipeline_mode<synchronous>, transform_indices = @transform_3, window_bounds = array<i64: 1, 256>}, {transform_indices = @transform_4, window_bounds = array<i64: 1, 1, 400>}, {pipeline_mode = #tpu.pipeline_mode<synchronous>, transform_indices = @transform_5, window_bounds = array<i64: 64, 256>}]} {
    %get3A = arith.constant 0 : index
    %get3A_0 = arith.constant 0 : index
    %get3A_1 = vector.load %arg1[%get3A, %get3A_0] : memref<400x256xf32, #tpu.memory_space<vmem>>, vector<400x256xf32>
    %get3A_2 = arith.constant 0 : index
    %get3A_3 = arith.constant 0 : index
    %get3A_4 = vector.load %arg2[%get3A_2, %get3A_3] : memref<2x256xf32, #tpu.memory_space<vmem>>, vector<1x256xf32>
    %div3A = arith.constant 1.000000e+04 : f32
    %div3A_5 = vector.broadcast %div3A : f32 to vector<1x256xf32>
    %div3A_6 = arith.divf %get3A_4, %div3A_5 : vector<1x256xf32>
    %get3A_7 = arith.constant 1 : index
    %get3A_8 = arith.constant 0 : index
    %get3A_9 = vector.load %arg2[%get3A_7, %get3A_8] : memref<2x256xf32, #tpu.memory_space<vmem>>, vector<1x256xf32>
    %div3A_10 = arith.constant 1.000000e+04 : f32
    %div3A_11 = vector.broadcast %div3A_10 : f32 to vector<1x256xf32>
    %div3A_12 = arith.divf %get3A_9, %div3A_11 : vector<1x256xf32>
    %mul3A = arith.mulf %div3A_6, %div3A_6 : vector<1x256xf32>
    %sub3A = arith.subf %div3A_12, %mul3A : vector<1x256xf32>
    %add3A = arith.constant 9.99999974E-6 : f32
    %add3A_13 = vector.broadcast %add3A : f32 to vector<1x256xf32>
    %add3A_14 = arith.addf %sub3A, %add3A_13 : vector<1x256xf32>
    %rsqrt3A = math.rsqrt %add3A_14 : vector<1x256xf32>
    %sub3A_15 = vector.broadcast %div3A_6 : vector<1x256xf32> to vector<400x256xf32>
    %sub3A_16 = arith.subf %get3A_1, %sub3A_15 : vector<400x256xf32>
    %mul3A_17 = vector.broadcast %rsqrt3A : vector<1x256xf32> to vector<400x256xf32>
    %mul3A_18 = arith.mulf %sub3A_16, %mul3A_17 : vector<400x256xf32>
    %get3A_19 = arith.constant 0 : index
    %get3A_20 = arith.constant 0 : index
    %get3A_21 = vector.load %arg3[%get3A_19, %get3A_20] : memref<1x256xf32, #tpu.memory_space<vmem>>, vector<1x256xf32>
    %mul3A_22 = vector.broadcast %get3A_21 : vector<1x256xf32> to vector<400x256xf32>
    %mul3A_23 = arith.mulf %mul3A_18, %mul3A_22 : vector<400x256xf32>
    %get3A_24 = arith.constant 0 : index
    %get3A_25 = arith.constant 0 : index
    %get3A_26 = vector.load %arg4[%get3A_24, %get3A_25] : memref<1x256xf32, #tpu.memory_space<vmem>>, vector<1x256xf32>
    %add3A_27 = vector.broadcast %get3A_26 : vector<1x256xf32> to vector<400x256xf32>
    %add3A_28 = arith.addf %mul3A_23, %add3A_27 : vector<400x256xf32>
    %max3A = arith.constant 0.000000e+00 : f32
    %max3A_29 = vector.broadcast %max3A : f32 to vector<400x256xf32>
    %max3A_30 = arith.maximumf %add3A_28, %max3A_29 : vector<400x256xf32>
    %get3A_31 = arith.constant 0 : index
    %get3A_32 = arith.constant 0 : index
    %get3A_33 = arith.constant 0 : index
    %get3A_34 = vector.load %arg5[%get3A_31, %get3A_32, %get3A_33] : memref<1x1x400xi32, #tpu.memory_space<vmem>>, vector<1x1x400xi32>
    %get3A_35 = vector.shape_cast %get3A_34 : vector<1x1x400xi32> to vector<1x400xi32>
    %iota3A = tpu.iota {dimensions = array<i32: 0>} : vector<64x400xi32>
    %eq3A = vector.broadcast %get3A_35 : vector<1x400xi32> to vector<64x400xi32>
    %eq3A_36 = arith.cmpi eq, %eq3A, %iota3A : vector<64x400xi32>
    %convert_element_type3A = arith.extui %eq3A_36 : vector<64x400xi1> to vector<64x400xi32>
    %convert_element_type3A_37 = arith.sitofp %convert_element_type3A : vector<64x400xi32> to vector<64x400xf32>
    %eq3A_38 = arith.constant 0 : i32
    %eq3A_39 = arith.cmpi eq, %arg0, %eq3A_38 : i32
    %convert_element_type3A_40 = arith.extui %eq3A_39 : i1 to i32
    %cond3A = arith.constant 0 : i32
    %cond3A_41 = arith.cmpi ne, %convert_element_type3A_40, %cond3A : i32
    scf.if %cond3A_41 {
      %broadcast_in_dim3A = arith.constant 0.000000e+00 : f32
      %broadcast_in_dim3A_49 = vector.broadcast %broadcast_in_dim3A : f32 to vector<64x256xf32>
      %swap3A_50 = arith.constant 0 : index
      %swap3A_51 = arith.constant 0 : index
      %swap3A_52 = vector.load %arg6[%swap3A_50, %swap3A_51] : memref<64x256xf32, #tpu.memory_space<vmem>>, vector<64x256xf32>
      tpu.vector_store %arg6[%swap3A_50, %swap3A_51], %broadcast_in_dim3A_49 {strides = array<i32>} : memref<64x256xf32, #tpu.memory_space<vmem>>, vector<64x256xf32>,
    } else {
    }
    %get3A_42 = arith.constant 0 : index
    %get3A_43 = arith.constant 0 : index
    %get3A_44 = vector.load %arg6[%get3A_42, %get3A_43] : memref<64x256xf32, #tpu.memory_space<vmem>>, vector<64x256xf32>
    %dot_general3A = arith.constant dense<0.000000e+00> : vector<64x256xf32>
    %dot_general3A_45 = tpu.matmul %convert_element_type3A_37, %max3A_30, %dot_general3A {dimension_numbers = #tpu.dot_dimension_numbers<[1], [0], [0], [1], [0, 0, 1, 1], [], []>, precision = #tpu.contract_precision<fp32>, transpose_lhs_hint = false} : vector<64x400xf32>, vector<400x256xf32>, vector<64x256xf32> -> vector<64x256xf32>
    %add3A_46 = arith.addf %get3A_44, %dot_general3A_45 : vector<64x256xf32>
    %swap3A = arith.constant 0 : index
    %swap3A_47 = arith.constant 0 : index
    %swap3A_48 = vector.load %arg6[%swap3A, %swap3A_47] : memref<64x256xf32, #tpu.memory_space<vmem>>, vector<64x256xf32>
    tpu.vector_store %arg6[%swap3A, %swap3A_47], %add3A_46 {strides = array<i32>} : memref<64x256xf32, #tpu.memory_space<vmem>>, vector<64x256xf32>,
    return
  }
  func.func @transform_0(%arg0: i32) -> (i32, i32) {
    %c0_i32 = arith.constant 0 : i32
    %c0_i32_0 = arith.constant 0 : i32
    return %arg0, %c0_i32 : i32, i32
  }
  func.func @transform_1(%arg0: i32) -> (i32, i32) {
    %c0_i32 = arith.constant 0 : i32
    %c0_i32_0 = arith.constant 0 : i32
    %c0_i32_1 = arith.constant 0 : i32
    return %c0_i32, %c0_i32_0 : i32, i32
  }
  func.func @transform_2(%arg0: i32) -> (i32, i32) {
    %c0_i32 = arith.constant 0 : i32
    %c0_i32_0 = arith.constant 0 : i32
    %c0_i32_1 = arith.constant 0 : i32
    return %c0_i32, %c0_i32_0 : i32, i32
  }
  func.func @transform_3(%arg0: i32) -> (i32, i32) {
    %c0_i32 = arith.constant 0 : i32
    %c0_i32_0 = arith.constant 0 : i32
    %c0_i32_1 = arith.constant 0 : i32
    return %c0_i32, %c0_i32_0 : i32, i32
  }
  func.func @transform_4(%arg0: i32) -> (i32, i32, i32) {
    %c0_i32 = arith.constant 0 : i32
    %c0_i32_0 = arith.constant 0 : i32
    %c0_i32_1 = arith.constant 0 : i32
    return %arg0, %c0_i32, %c0_i32_0 : i32, i32, i32
  }
  func.func @transform_5(%arg0: i32) -> (i32, i32) {
    %c0_i32 = arith.constant 0 : i32
    %c0_i32_0 = arith.constant 0 : i32
    %c0_i32_1 = arith.constant 0 : i32
    return %c0_i32, %c0_i32_0 : i32, i32
  }
}

module attributes {stable_mosaic.version = 14 : i64} {
  func.func @_head_body(%arg0: memref<64x256xf32, #tpu.memory_space<vmem>>, %arg1: memref<256x196xf32, #tpu.memory_space<vmem>>, %arg2: memref<1x196xf32, #tpu.memory_space<vmem>>, %arg3: memref<1x196xf32, #tpu.memory_space<vmem>>, %arg4: memref<1x196xf32, #tpu.memory_space<vmem>>, %arg5: memref<196x128xf32, #tpu.memory_space<vmem>>, %arg6: memref<1x128xf32, #tpu.memory_space<vmem>>, %arg7: memref<64x128xf32, #tpu.memory_space<vmem>>) attributes {dimension_semantics = [], scalar_prefetch = 0 : i64, scratch_operands = 0 : i64, tpu.core_type = #tpu.core_type<tc>} {
    %get3A = arith.constant 0 : index
    %get3A_0 = arith.constant 0 : index
    %get3A_1 = vector.load %arg0[%get3A, %get3A_0] : memref<64x256xf32, #tpu.memory_space<vmem>>, vector<64x256xf32>
    %max3A = arith.constant 0.000000e+00 : f32
    %max3A_2 = vector.broadcast %max3A : f32 to vector<64x256xf32>
    %max3A_3 = arith.maximumf %get3A_1, %max3A_2 : vector<64x256xf32>
    %abs3A = math.absf %get3A_1 : vector<64x256xf32>
    %neg3A = arith.constant 0.000000e+00 : f32
    %neg3A_4 = vector.broadcast %neg3A : f32 to vector<64x256xf32>
    %neg3A_5 = arith.subf %neg3A_4, %abs3A : vector<64x256xf32>
    %exp3A = math.exp %neg3A_5 : vector<64x256xf32>
    %log1p3A = math.log1p %exp3A : vector<64x256xf32>
    %add3A = arith.addf %max3A_3, %log1p3A : vector<64x256xf32>
    %get3A_6 = arith.constant 0 : index
    %get3A_7 = arith.constant 0 : index
    %get3A_8 = vector.load %arg1[%get3A_6, %get3A_7] : memref<256x196xf32, #tpu.memory_space<vmem>>, vector<256x196xf32>
    %dot_general3A = arith.constant dense<0.000000e+00> : vector<64x196xf32>
    %dot_general3A_9 = tpu.matmul %add3A, %get3A_8, %dot_general3A {dimension_numbers = #tpu.dot_dimension_numbers<[1], [0], [0], [1], [0, 0, 1, 1], [], []>, transpose_lhs_hint = false} : vector<64x256xf32>, vector<256x196xf32>, vector<64x196xf32> -> vector<64x196xf32>
    %get3A_10 = arith.constant 0 : index
    %get3A_11 = arith.constant 0 : index
    %get3A_12 = vector.load %arg2[%get3A_10, %get3A_11] : memref<1x196xf32, #tpu.memory_space<vmem>>, vector<1x196xf32>
    %add3A_13 = vector.broadcast %get3A_12 : vector<1x196xf32> to vector<64x196xf32>
    %add3A_14 = arith.addf %dot_general3A_9, %add3A_13 : vector<64x196xf32>
    %reduce_sum3A = arith.constant dense<0.000000e+00> : vector<196xf32>
    %reduce_sum3A_15 = vector.multi_reduction <add>, %add3A_14, %reduce_sum3A [0] : vector<64x196xf32> to vector<196xf32>
    %broadcast_in_dim3A = vector.shape_cast %reduce_sum3A_15 : vector<196xf32> to vector<1x196xf32>
    %div3A = arith.constant 6.400000e+01 : f32
    %div3A_16 = vector.broadcast %div3A : f32 to vector<1x196xf32>
    %div3A_17 = arith.divf %broadcast_in_dim3A, %div3A_16 : vector<1x196xf32>
    %mul3A = arith.mulf %add3A_14, %add3A_14 : vector<64x196xf32>
    %reduce_sum3A_18 = arith.constant dense<0.000000e+00> : vector<196xf32>
    %reduce_sum3A_19 = vector.multi_reduction <add>, %mul3A, %reduce_sum3A_18 [0] : vector<64x196xf32> to vector<196xf32>
    %broadcast_in_dim3A_20 = vector.shape_cast %reduce_sum3A_19 : vector<196xf32> to vector<1x196xf32>
    %div3A_21 = arith.constant 6.400000e+01 : f32
    %div3A_22 = vector.broadcast %div3A_21 : f32 to vector<1x196xf32>
    %div3A_23 = arith.divf %broadcast_in_dim3A_20, %div3A_22 : vector<1x196xf32>
    %mul3A_24 = arith.mulf %div3A_17, %div3A_17 : vector<1x196xf32>
    %sub3A = arith.subf %div3A_23, %mul3A_24 : vector<1x196xf32>
    %sub3A_25 = vector.broadcast %div3A_17 : vector<1x196xf32> to vector<64x196xf32>
    %sub3A_26 = arith.subf %add3A_14, %sub3A_25 : vector<64x196xf32>
    %add3A_27 = arith.constant 9.99999974E-6 : f32
    %add3A_28 = vector.broadcast %add3A_27 : f32 to vector<1x196xf32>
    %add3A_29 = arith.addf %sub3A, %add3A_28 : vector<1x196xf32>
    %rsqrt3A = math.rsqrt %add3A_29 : vector<1x196xf32>
    %mul3A_30 = vector.broadcast %rsqrt3A : vector<1x196xf32> to vector<64x196xf32>
    %mul3A_31 = arith.mulf %sub3A_26, %mul3A_30 : vector<64x196xf32>
    %get3A_32 = arith.constant 0 : index
    %get3A_33 = arith.constant 0 : index
    %get3A_34 = vector.load %arg3[%get3A_32, %get3A_33] : memref<1x196xf32, #tpu.memory_space<vmem>>, vector<1x196xf32>
    %mul3A_35 = vector.broadcast %get3A_34 : vector<1x196xf32> to vector<64x196xf32>
    %mul3A_36 = arith.mulf %mul3A_31, %mul3A_35 : vector<64x196xf32>
    %get3A_37 = arith.constant 0 : index
    %get3A_38 = arith.constant 0 : index
    %get3A_39 = vector.load %arg4[%get3A_37, %get3A_38] : memref<1x196xf32, #tpu.memory_space<vmem>>, vector<1x196xf32>
    %add3A_40 = vector.broadcast %get3A_39 : vector<1x196xf32> to vector<64x196xf32>
    %add3A_41 = arith.addf %mul3A_36, %add3A_40 : vector<64x196xf32>
    %max3A_42 = arith.constant 0.000000e+00 : f32
    %max3A_43 = vector.broadcast %max3A_42 : f32 to vector<64x196xf32>
    %max3A_44 = arith.maximumf %add3A_41, %max3A_43 : vector<64x196xf32>
    %abs3A_45 = math.absf %add3A_41 : vector<64x196xf32>
    %neg3A_46 = arith.constant 0.000000e+00 : f32
    %neg3A_47 = vector.broadcast %neg3A_46 : f32 to vector<64x196xf32>
    %neg3A_48 = arith.subf %neg3A_47, %abs3A_45 : vector<64x196xf32>
    %exp3A_49 = math.exp %neg3A_48 : vector<64x196xf32>
    %log1p3A_50 = math.log1p %exp3A_49 : vector<64x196xf32>
    %add3A_51 = arith.addf %max3A_44, %log1p3A_50 : vector<64x196xf32>
    %get3A_52 = arith.constant 0 : index
    %get3A_53 = arith.constant 0 : index
    %get3A_54 = vector.load %arg5[%get3A_52, %get3A_53] : memref<196x128xf32, #tpu.memory_space<vmem>>, vector<196x128xf32>
    %dot_general3A_55 = arith.constant dense<0.000000e+00> : vector<64x128xf32>
    %dot_general3A_56 = tpu.matmul %add3A_51, %get3A_54, %dot_general3A_55 {dimension_numbers = #tpu.dot_dimension_numbers<[1], [0], [0], [1], [0, 0, 1, 1], [], []>, transpose_lhs_hint = false} : vector<64x196xf32>, vector<196x128xf32>, vector<64x128xf32> -> vector<64x128xf32>
    %get3A_57 = arith.constant 0 : index
    %get3A_58 = arith.constant 0 : index
    %get3A_59 = vector.load %arg6[%get3A_57, %get3A_58] : memref<1x128xf32, #tpu.memory_space<vmem>>, vector<1x128xf32>
    %add3A_60 = vector.broadcast %get3A_59 : vector<1x128xf32> to vector<64x128xf32>
    %add3A_61 = arith.addf %dot_general3A_56, %add3A_60 : vector<64x128xf32>
    %mul3A_62 = arith.mulf %add3A_61, %add3A_61 : vector<64x128xf32>
    %reduce_sum3A_63 = arith.constant dense<0.000000e+00> : vector<64xf32>
    %reduce_sum3A_64 = vector.multi_reduction <add>, %mul3A_62, %reduce_sum3A_63 [1] : vector<64x128xf32> to vector<64xf32>
    %broadcast_in_dim3A_65 = vector.shape_cast %reduce_sum3A_64 : vector<64xf32> to vector<64x1xf32>
    %sqrt3A = math.sqrt %broadcast_in_dim3A_65 : vector<64x1xf32>
    %max3A_66 = arith.constant 9.99999996E-13 : f32
    %max3A_67 = vector.broadcast %max3A_66 : f32 to vector<64x1xf32>
    %max3A_68 = arith.maximumf %sqrt3A, %max3A_67 : vector<64x1xf32>
    %div3A_69 = vector.broadcast %max3A_68 : vector<64x1xf32> to vector<64x128xf32>
    %div3A_70 = arith.divf %add3A_61, %div3A_69 : vector<64x128xf32>
    %swap3A = arith.constant 0 : index
    %swap3A_71 = arith.constant 0 : index
    %swap3A_72 = vector.load %arg7[%swap3A, %swap3A_71] : memref<64x128xf32, #tpu.memory_space<vmem>>, vector<64x128xf32>
    tpu.vector_store %arg7[%swap3A, %swap3A_71], %div3A_70 {strides = array<i32>} : memref<64x128xf32, #tpu.memory_space<vmem>>, vector<64x128xf32>,
    return
  }
}

</mosaic_0001>

<sc_bundles>
// kernel: kernel.12.cloned.1.call-start
scs
__scs_entry_jumppad:
0x0: {  	(pc) =	sbr.rel $0x88, $3  }
0x1: {  	(tag) =	ssettag $0x0;
	lr =	simm.s32 $0x1  }
0x2: {  	[smem:$0x3F8C] =	sst lr;
	_ =	strace $0xD0000000  }
0x3: {  	_ = 	snop  }
0x4: {  	_ = 	snop  }
0x5: {  	_ = 	snop  }
0x6: {  	_ = 	snop  }
0x7: {  	_ = 	snop  }
__scs_overlays_trampoline_lowered:
0x8: {  	[smem:$0x3F9B] =	sst s0  }
0x9: {  	[smem:$0x3F9C] =	sst s1  }
0xa: {  	[smem:$0x3F9D] =	sst s2  }
0xb: {  	[smem:$0x3F9E] =	sst s3  }
0xc: {  	[smem:$0x3F9F] =	sst s4  }
0xd: {  	[smem:$0x3FA0] =	sst s5  }
0xe: {  	[smem:$0x3FA1] =	sst s6  }
0xf: {  	[smem:$0x3FA2] =	sst s7  }
0x10: {  	[smem:$0x3FA3] =	sst s8  }
0x11: {  	[smem:$0x3FA4] =	sst s9;
	s0 =	simm.s32 @!p0 $0x0  }
0x12: {  	s1 =	sld [smem:$0x3F8A];
	s0 =	simm.s32 @p0 $0x1  }
0x13: {  	[smem:$0x3FA5] =	sst s0;
	s0 =	simm.s32 @!p1 $0x0  }
0x14: {  	s2 =	sld [smem:$0x3F89];
	s0 =	simm.s32 @p1 $0x1  }
0x15: {  	[smem:$0x3FA6] =	sst s0;
	s0 =	simm.s32 @!p2 $0x0  }
0x16: {  	s3 =	sld [smem:$0x3FDB];
	s0 =	simm.s32 @p2 $0x1  }
0x17: {  	s4 =	simm.s32 $0x1BF5;
	[smem:$0x3FA8] =	sst s0  }
0x18: {  	s0 =	sld [smem:$0x3F8B];
	_ =	swait.ge [sflag:s4], $0x0  }
0x19: {  	s7 =	sld [smem:$0x3F8C]  }
0x1a: {  	s8 =	sadd.s32 $0xFFFFE003, lr  }
0x1b: {  	s9 =	sadd.s32 $0xFFFFFEF7, lr;
	s5 =	simm.s32 $0xFFFFFFFF;
	p2 =	slt.u32 s8, $0xFFFFF086  }
0x1c: {  	p1 =	slt.u32 s9, $0xF7A;
	s5 =	simm.s32 @!p2 $0x0  }
0x1d: {  	s5 =	simm.s32 @p1 $0x1;
	p0 =	seq.s32 s7, s2  }
0x1e: {  	s7 =	smul.u32 @!p0 $0xF7A, s2;
	p2 =	seq.s32 @!p0 s5, $0x0  }
0x1f: {  	s9 =	smul.u32 $0xF7A, s1;
	s8 =	simm.s32 @!p0 $0x1BF5;
	p2 =	por !p2, p0  }
0x20: {  	[sflag:s8] =	ssyncset.s32 @!p0 $0xFFFFF086;
	s6 =	sadd.s32 @!p0 s3, s7;
	s7 =	simm.s32 @!p0 $0x108  }
0x21: {  	s3 =	sadd.s32 s3, s9;
	s6 =	sadd.s32 @!p0 $0x88, s6;
	s7 =	simm.s32 @p2 $0x1082  }
0x22: {  	[simem:s7], [sflag:s8] =	dma.local @!p0 [hbm:s6], $0xF7A  }
0x23: {  	s9 =	sor.u32 $0xD0000000, s2;
	s6 =	simm.s32 $0x108;
	_ =	swait.ge @!p0 [sflag:s8], $0x0  }
0x24: {  	s3 =	sadd.s32 $0x88, s3;
	s6 =	simm.s32 @!p1 $0x1082;
	[sflag:s4] =	ssyncset.s32 $0xFFFFF086  }
0x25: {  	[simem:s6], [sflag:s4] =	dma.local [hbm:s3], $0xF7A  }
0x26: {  	[smem:$0x3F8C] =	sst s1;
	(tag) =	ssettag s2;
	_ =	strace s9  }
0x27: {  	s1 =	sld [smem:$0x3F9C]  }
0x28: {  	s2 =	sld [smem:$0x3F9D]  }
0x29: {  	s4 =	sld [smem:$0x3F9F]  }
0x2a: {  	p0 =	seq.s32 s5, $0x0;
	s5 =	sld [smem:$0x3FA0]  }
0x2b: {  	s6 =	sld [smem:$0x3FA1]  }
0x2c: {  	s7 =	sld [smem:$0x3FA2]  }
0x2d: {  	s3 =	simm.s32 $0x108;
	s8 =	sld [smem:$0x3FA3]  }
0x2e: {  	s3 =	simm.s32 @!p0 $0x1082;
	s9 =	sld [smem:$0x3FA4]  }
0x2f: {  	lr =	sadd.s32 s0, s3;
	s0 =	sld [smem:$0x3F9B]  }
0x30: {  	s3 =	sld [smem:$0x3F9E]  }
0x31: {  	[smem:$0x3FA7] =	sst s10  }
0x32: {  	s10 =	sld [smem:$0x3FA5];
	_ =	sdelay $0x3  }
0x33: {  	p0 =	seq.s32 s10, $0x1;
	s10 =	sld [smem:$0x3FA7];
	_ =	sdelay $0x3  }
0x34: {  	[smem:$0x3FA7] =	sst s10  }
0x35: {  	s10 =	sld [smem:$0x3FA6];
	_ =	sdelay $0x3  }
0x36: {  	p1 =	seq.s32 s10, $0x1;
	s10 =	sld [smem:$0x3FA7];
	_ =	sdelay $0x3  }
0x37: {  	[smem:$0x3FA7] =	sst s10  }
0x38: {  	s10 =	sld [smem:$0x3FA8]  }
0x39: {  	_ = 	snop;
	(pc) =	sbr.ind lr, $3  }
0x3a: {  	_ = 	snop  }
0x3b: {  	_ = 	snop  }
0x3c: {  	p2 =	seq.s32 s10, $0x1;
	s10 =	sld [smem:$0x3FA7]  }
0x3d: {  	_ =	shalt  }
0x3e: {  	_ =	shalt  }
0x3f: {  	_ =	shalt  }
0x40: {  	_ =	shalt  }
0x41: {  	_ =	shalt  }
0x42: {  	_ =	shalt  }
0x43: {  	_ =	shalt  }
0x44: {  	_ =	shalt  }
0x45: {  	_ =	shalt  }
0x46: {  	_ =	shalt  }
0x47: {  	_ =	shalt  }
0x48: {  	_ =	shalt  }
0x49: {  	_ =	shalt  }
0x4a: {  	_ =	shalt  }
0x4b: {  	_ =	shalt  }
0x4c: {  	_ =	shalt  }
0x4d: {  	_ =	shalt  }
0x4e: {  	_ =	shalt  }
0x4f: {  	_ =	shalt  }
0x50: {  	_ =	shalt  }
0x51: {  	_ =	shalt  }
0x52: {  	_ =	shalt  }
0x53: {  	_ =	shalt  }
0x54: {  	_ =	shalt  }
0x55: {  	_ =	shalt  }
0x56: {  	_ =	shalt  }
0x57: {  	_ =	shalt  }
0x58: {  	_ =	shalt  }
0x59: {  	_ =	shalt  }
0x5a: {  	_ =	shalt  }
0x5b: {  	_ =	shalt  }
0x5c: {  	_ =	shalt  }
0x5d: {  	_ =	shalt  }
0x5e: {  	_ =	shalt  }
0x5f: {  	_ =	shalt  }
0x60: {  	_ =	shalt  }
0x61: {  	_ =	shalt  }
0x62: {  	_ =	shalt  }
0x63: {  	_ =	shalt  }
0x64: {  	_ =	shalt  }
0x65: {  	_ =	shalt  }
0x66: {  	_ =	shalt  }
0x67: {  	_ =	shalt  }
0x68: {  	_ =	shalt  }
0x69: {  	_ =	shalt  }
0x6a: {  	_ =	shalt  }
0x6b: {  	_ =	shalt  }
0x6c: {  	_ =	shalt  }
0x6d: {  	_ =	shalt  }
0x6e: {  	_ =	shalt  }
0x6f: {  	_ =	shalt  }
0x70: {  	_ =	shalt  }
0x71: {  	_ =	shalt  }
0x72: {  	_ =	shalt  }
0x73: {  	_ =	shalt  }
0x74: {  	_ =	shalt  }
0x75: {  	_ =	shalt  }
0x76: {  	_ =	shalt  }
0x77: {  	_ =	shalt  }
0x78: {  	_ =	shalt  }
0x79: {  	_ =	shalt  }
0x7a: {  	_ =	shalt  }
0x7b: {  	_ =	shalt  }
0x7c: {  	_ =	shalt  }
0x7d: {  	_ =	shalt  }
0x7e: {  	_ =	shalt  }
0x7f: {  	_ =	shalt  }
0x80: {  	_ =	shalt  }
0x81: {  	_ =	shalt  }
0x82: {  	_ =	shalt  }
0x83: {  	_ =	shalt  }
0x84: {  	_ =	shalt  }
0x85: {  	_ =	shalt  }
0x86: {  	_ =	shalt  }
0x87: {  	_ =	shalt  }
.Lfunc_end0:
.L_simem_size_0:
called_computation_lowered:
.L_overlay_start_0:
0x88: {  	s2 =	sld [smem:$0x3FD9]  }
0x89: {  	s3 =	sld [smem:$0x3FFE];
	_ =	sdelay $0x1  }
0x8a: {  	s1 =	srdreg.scid  }
0x8b: {  	s0 =	sand.u32 $0x1, s1  }
0x8c: {  	s17 =	sshll.u32 s0, $0xA;
	s2 =	sadd.s32 s3, s2  }
0x8d: {  	s2 =	sadd.s32 s2, s17  }
0x8e: {  	[smem:$0x3FB3] =	sst s2  }
0x8f: {  	_ = 	snop  }
0x90: {  	s2 =	sld [smem:$0x3FC9];
	(tm) =	ssettm $0x1  }
0x91: {  	s18 =	sld [smem:$0x3FFB];
	_ =	sdelay $0x3  }
0x92: {  	_ =	strace s18  }
0x93: {  	s3 =	sld [smem:$0x3FFC];
	_ =	sdelay $0x3  }
0x94: {  	_ =	strace s3  }
0x95: {  	s3 =	sld [smem:$0x3FFD];
	_ =	sdelay $0x3  }
0x96: {  	_ =	strace s3  }
0x97: {  	_ =	strace $0x8FFFFFFF  }
0x98: {  	s19 =	sld [smem:$0x3FDB];
	_ =	sdelay $0x1  }
0x99: {  	s4 =	simm.s32 $_scs_section_size  }
0x9a: {  	s5 =	simm.s32 $_size__tile_overlayer_lowered;
	s6 =	simm.s32 $_tile_overlayer_lowered  }
0x9b: {  	s22 =	simm.s32 $0x1BFF;
	s21 =	sshll.u32 s6, $0x1;
	s3 =	sadd.s32 s4, s19  }
0x9c: {  	s7 =	simm.s32 $0x0;
	s20 =	sshll.u32 s5, $0x1;
	s5 =	sadd.s32 s21, s3  }
0x9d: {  	[timem:s7], [sflag:s22] =	dma.local [hbm:s5], s20  }
0x9e: {  	_ =	swait.ge [sflag:s22], s20  }
0x9f: {  	s4 =	ssub.s32 $0x0, s20;
	[sflag:s22] =	ssyncset.done $0x0  }
0xa0: {  	[sflag:s22] =	ssyncadd.s32 s4;
	_ =	sdelay $0x1  }
0xa1: {  	s23 =	simm.s32 $0x1B8B  }
0xa2: {  	_ =	swait.ge [sflag:s23], $0x1  }
0xa3: {  	[sflag:s23] =	ssyncset.done $0x0  }
0xa4: {  	s25 =	simm.s32 $0x1B8E;
	s24 =	sld [smem:$0x3FFE];
	[sflag:s23] =	ssyncadd.s32 $0xFFFFFFFF  }
0xa5: {  	s26 =	simm.s32 $execute0_lowered;
	[smem:$0x3FD2] =	sst s25  }
0xa6: {  	s5 =	sshll.u32 s26, $0x1;
	_ =	strace $0x80000046;
	[dreg:$0x1] =	wrdreg $0xFFFFFFFF  }
0xa7: {  	s28 =	simm.s32 $_size_execute0_lowered;
	s3 =	sadd.s32 s3, s5;
	[dreg:$0x0] =	wrdreg $0x0  }
0xa8: {  	s5 =	sshll.u32 s28, $0x1;
	[dreg:$0x2] =	wrdreg s3  }
0xa9: {  	[dreg:$0x3] =	wrdreg s5  }
0xaa: {  	[dreg:$0x4] =	wrdreg $0xC0  }
0xab: {  	_ =	task [dreg:s7], $0x5FFFF  }
0xac: {  	[dreg:$0x1] =	wrdreg $0xFFFFFFFF  }
0xad: {  	[dreg:$0x0] =	wrdreg $0x60  }
0xae: {  	[dreg:$0x2] =	wrdreg s2  }
0xaf: {  	[dreg:$0x3] =	wrdreg s24  }
0xb0: {  	[dreg:$0x4] =	wrdreg $0x82000  }
0xb1: {  	[dreg:$0x5] =	wrdreg $0x9  }
0xb2: {  	_ =	task.clear_ibuf [dreg:s7], $0x6FFFF;
	_ =	strace $0x90000046  }
0xb3: {  	s29 =	simm.s32 $0x9;
	_ =	strace $0x80000048  }
0xb4: {  	_ =	swait.ge [sflag:s29], $0x1  }
0xb5: {  	[sflag:s29] =	ssyncadd.s32 $0xFFFFFFFF  }
0xb6: {  	_ =	strace $0x90000048  }
0xb7: {  	_ =	sfence  }
0xb8: {  	s30 =	sld [smem:$0x0];
	_ =	sdelay $0x2  }
0xb9: {  	s31 =	sshll.u32 s1, $0xD;
	s1 =	sshrl.u32 s1, $0x2  }
0xba: {  	s3 =	sand.u32 $0x4000, s31;
	s1 =	sadd.s32 s1, s30  }
0xbb: {  	s0 =	sor.u32 s3, s0;
	s1 =	sshll.u32 s1, $0x11  }
0xbc: {  	s0 =	sor.u32 s1, s0  }
0xbd: {  	s0 =	sadd.s32 $0x8F2B, s0  }
0xbe: {  	[sflag:s0] =	ssyncadd.remote.s32 $0x1  }
0xbf: {  	_ =	sfence.sel $0xFFFF  }
0xc0: {  	[dreg:$0x0] =	wrdreg $0xFFFFFFFF;
	(pc) =	sbr.abs _section_cstart, $3  }
0xc1: {  	[dreg:$0x1] =	wrdreg $0xFFFFFFFF  }
0xc2: {  	_ =	task.clear_ibuf [dreg:s7], $0x2FFFF;
	_ =	strace $0x9FFFFFFF  }
0xc3: {  	(tm) =	ssettm $0x7FFFFFFF  }
tec
execute0_lowered:
.L_overlay_start_1:
0x0: {  	(tag) =	ssettag $0x1  }
0x1: {  	s2 =	rddreg [dreg:$0x0]  }
0x2: {  	s6 =	rddreg [dreg:$0x1]  }
0x3: {  	s3 =	rddreg [dreg:$0x2];
	s0 =	stileid.u32  }
0x4: {  	s5 =	srdreg.scid;
	s7 =	smul.u32 $0x14000, s0  }
0x5: {  	s4 =	simm.s32 $0x0;
	s28 =	simm.s32 $0x0;
	s18 =	smul.u32 $0x50000, s0  }
0x6: {  	s12 =	sand.u32 $0x1, s5;
	[smem:$0x7FF] =	sst s4;
	s30 =	smul.u32 $0x4F00, s0  }
0x7: {  	s5 =	sadd.s32 $0x5800, s6;
	s17 =	sadd.s32 $0x2D000, s6;
	s8 =	smul.u32 $0x140000, s12  }
0x8: {  	s22 =	sshll.u32 s0, $0x6;
	_ =	strace $0x80000047;
	s15 =	smul.u32 $0x27800, s12  }
0x9: {  	s19 =	ssub.s32 $0x2, s12;
	s20 =	sshll.u32 s12, $0x4;
	s29 =	smul.u32 $0x4F080, s12  }
0xa: {  	s9 =	sshrl.u32 s7, $0x3;
	s10 =	sshrl.u32 s19, $0x1;
	s11 =	sor.u32 s0, s20  }
0xb: {  	s20 =	smul.u32 $0x2780, s0;
	s7 =	sadd.s32 s7, s8;
	s16 =	sadd.s32 s9, s6  }
0xc: {  	s9 =	sshrl.u32 s18, $0x2;
	s14 =	ssub.s32 s19, s10;
	s21 =	smul.u32 $0x4F00, s11  }
0xd: {  	s8 =	sor.u32 $0x1C03, s22;
	s23 =	smul.u32 $0x2780, s11;
	s22 =	simm.s32 $0x4200  }
0xe: {  	s7 =	sshrl.u32 s7, $0x3;
	s18 =	sadd.s32 s9, s3;
	s26 =	sadd.s32 s20, s15  }
0xf: {  	s20 =	simm.s32 $0x80;
	s13 =	sadd.s32 s7, s6;
	s6 =	sadd.s32 $0x36E00, s16  }
0x10: {  	s7 =	sshll.u32 s12, $0x7;
	s19 =	sshrl.u32 s23, $0x3;
	s15 =	sadd.s32 $0x80, s26  }
0x11: {  	s31 =	sshrl.u32 s26, $0x3;
	s18 =	sshrl.u32 s18, $0x3;
	s23 =	simm.s32 $0x1  }
0x12: {  	s9 =	sor.u32 s7, s21;
	s25 =	sadd.s32 s17, s19;
	s12 =	sadd.s32 $0x5EE00, s13  }
0x13: {  	s13 =	smax.u32 s14, $0x1;
	s14 =	sadd.s32 $0x180, s26;
	s15 =	sshrl.u32 s15, $0x3  }
0x14: {  	s19 =	sadd.s32 s30, s29;
	s21 =	simm.s32 $0x200;
	s26 =	simm.s32 $0x180  }
0x15: {  	s24 =	sshrl.u32 s9, $0x3;
	s9 =	sadd.s32 $0x100, s9;
	s11 =	sadd.s32 $0x4E0, s25  }
0x16: {  	s15 =	sadd.s32 s15, s17;
	s17 =	sadd.s32 s31, s17;
	s25 =	simm.s32 $0x2  }
0x17: {  	s16 =	sshrl.u32 s9, $0x3;
	s9 =	sadd.s32 s5, s24;
	s24 =	simm.s32 $0x100  }
0x18: {  	s10 =	sadd.s32 s5, s16;
	s16 =	sadd.s32 $0x200, s19;
	s19 =	simm.s32 $0x3  }
.LBB2_1:
0x19: {  	[spmem:s18], [sflag:s8] =	dma.local [hbm:s6], $0x2800  }
0x1a: {  	_ =	swait.ge [sflag:s19], $0x2800  }
0x1b: {  	[sflag:s19] =	ssyncset.done $0x0  }
0x1c: {  	[sflag:s19] =	ssyncadd.s32 $0xFFFFD800  }
0x1d: {  	[bflag:$0x0] =	sbarrier.arrive $0xFFFF  }
0x1e: {  	[tilespmem:s4], [sflag:$0x3] =	stream.linear.gather [hbm4b:s9+s4], $0x80, $0x38;
	[tilespmem:$0x1C200] =	vst v63  }
0x1f: {  	_ =	swait.ge [sflag:s19], $0x80  }
0x20: {  	[sflag:s19] =	ssyncset.done $0x0  }
0x21: {  	[sflag:s19] =	ssyncadd.s32 $0xFFFFFF80  }
0x22: {  	[tilespmem:s21], [sflag:$0x1] =	stream.indirect.gather [hbm4b:s2+s20], $0x80, s4, s20, $0xb8;
	[tilespmem:$0x1C200] =	vst v63  }
0x23: {  	_ = 	snop  }
0x24: {  	[tilespmem:s20], [sflag:$0x3] =	stream.linear.gather [hbm4b:s10+s4], $0x80, $0x38;
	[tilespmem:$0x1C200] =	vst v63  }
0x25: {  	_ =	swait.ge [sflag:s19], $0x80  }
0x26: {  	[sflag:s19] =	ssyncset.done $0x0  }
0x27: {  	[sflag:s19] =	ssyncadd.s32 $0xFFFFFF80  }
0x28: {  	[tilespmem:s22], [sflag:$0x2] =	stream.indirect.gather [hbm4b:s2+s20], $0x80, s20, s20, $0xb8;
	[tilespmem:$0x1C200] =	vst v63  }
0x29: {  	_ =	swait.ge [sflag:s23], $0x4000  }
0x2a: {  	[sflag:s23] =	ssyncset.done $0x0  }
0x2b: {  	s29 =	sadd.s32 $0x0, s17;
	[sflag:s23] =	ssyncadd.s32 $0xFFFFC000  }
0x2c: {  	[tilespmem:s24], [sflag:$0x3] =	stream.linear.gather [hbm4b:s29+s4], $0x80, $0x38;
	[tilespmem:$0x1C200] =	vst v63  }
0x2d: {  	_ =	swait.ge [sflag:s19], $0x80  }
0x2e: {  	[sflag:s19] =	ssyncset.done $0x0  }
0x2f: {  	[sflag:s19] =	ssyncadd.s32 $0xFFFFFF80  }
0x30: {  	[spmem:s3] =	stream.indirect.scatter.add.f32 [tilespmem:s21], [sflag:$0x3], $0x80, s24, s20, $0xb8;
	[tilespmem:$0x1C200] =	vst v63  }
0x31: {  	_ =	swait.ge [sflag:s19], $0x4000  }
0x32: {  	s29 =	sshrl.u32 s16, $0x3;
	[sflag:s19] =	ssyncset.done $0x0  }
0x33: {  	s29 =	sadd.s32 s5, s29;
	[sflag:s19] =	ssyncadd.s32 $0xFFFFC000  }
0x34: {  	[tilespmem:s4], [sflag:$0x3] =	stream.linear.gather [hbm4b:s29+s4], $0x80, $0x38;
	[tilespmem:$0x1C200] =	vst v63  }
0x35: {  	_ =	swait.ge [sflag:s19], $0x80  }
0x36: {  	[sflag:s19] =	ssyncset.done $0x0  }
0x37: {  	[sflag:s19] =	ssyncadd.s32 $0xFFFFFF80  }
0x38: {  	[tilespmem:s21], [sflag:$0x1] =	stream.indirect.gather [hbm4b:s2+s20], $0x80, s4, s20, $0xb8;
	[tilespmem:$0x1C200] =	vst v63  }
0x39: {  	_ =	swait.ge [sflag:s25], $0x4000  }
0x3a: {  	[sflag:s25] =	ssyncset.done $0x0  }
0x3b: {  	s29 =	sadd.s32 $0x0, s15;
	[sflag:s25] =	ssyncadd.s32 $0xFFFFC000  }
0x3c: {  	[tilespmem:s26], [sflag:$0x3] =	stream.linear.gather [hbm4b:s29+s4], $0x80, $0x38;
	[tilespmem:$0x1C200] =	vst v63  }
0x3d: {  	p0 =	slt.s32 s14, $0x4EF80;
	s29 =	smov.u32 s14;
	_ =	swait.ge [sflag:s19], $0x80  }
0x3e: {  	s29 =	simm.s32 @!p0 $0x4EF80;
	[sflag:s19] =	ssyncset.done $0x0  }
0x3f: {  	s29 =	sshll.u32 s29, $0x1;
	[sflag:s19] =	ssyncadd.s32 $0xFFFFFF80  }
0x40: {  	[spmem:s3] =	stream.indirect.scatter.add.f32 [tilespmem:s22], [sflag:$0x3], $0x80, s26, s20, $0xb8;
	[tilespmem:$0x1C200] =	vst v63  }
0x41: {  	s29 =	sor.u32 s7, s29;
	_ =	swait.ge [sflag:s19], $0x4000  }
0x42: {  	s29 =	sshrl.u32 s29, $0x3;
	[sflag:s19] =	ssyncset.done $0x0  }
0x43: {  	s29 =	sadd.s32 s5, s29;
	[sflag:s19] =	ssyncadd.s32 $0xFFFFC000  }
0x44: {  	[tilespmem:s20], [sflag:$0x3] =	stream.linear.gather [hbm4b:s29+s4], $0x80, $0x38;
	[tilespmem:$0x1C200] =	vst v63  }
0x45: {  	s30 =	smov.u32 s14;
	_ =	swait.ge [sflag:s19], $0x80  }
0x46: {  	s31 =	smov.u32 s16;
	s29 =	simm.s32 $0x20;
	[sflag:s19] =	ssyncset.done $0x0  }
.LBB2_2:
0x47: {  	[sflag:s19] =	ssyncadd.s32 $0xFFFFFF80  }
0x48: {  	s30 =	sadd.s32 $0x100, s30;
	s31 =	sadd.s32 $0x200, s31;
	s0 =	smov.u32 s29  }
0x49: {  	[tilespmem:s22], [sflag:$0x2] =	stream.indirect.gather [hbm4b:s2+s20], $0x80, s20, s20, $0xb8;
	[tilespmem:$0x1C200] =	vst v63  }
0x4a: {  	p0 =	sne.s32 s29, $0x4C0;
	s29 =	sadd.s32 $0x20, s29;
	_ =	swait.ge [sflag:s23], $0x4000  }
0x4b: {  	s1 =	sadd.s32 s0, s17;
	[sflag:s23] =	ssyncset.done $0x0  }
0x4c: {  	[sflag:s23] =	ssyncadd.s32 $0xFFFFC000  }
0x4d: {  	[tilespmem:s24], [sflag:$0x3] =	stream.linear.gather [hbm4b:s1+s4], $0x80, $0x38;
	[tilespmem:$0x1C200] =	vst v63  }
0x4e: {  	_ =	swait.ge [sflag:s19], $0x80  }
0x4f: {  	[sflag:s19] =	ssyncset.done $0x0  }
0x50: {  	[sflag:s19] =	ssyncadd.s32 $0xFFFFFF80  }
0x51: {  	[spmem:s3] =	stream.indirect.scatter.add.f32 [tilespmem:s21], [sflag:$0x3], $0x80, s24, s20, $0xb8;
	[tilespmem:$0x1C200] =	vst v63  }
0x52: {  	s1 =	sshrl.u32 s31, $0x3;
	_ =	swait.ge [sflag:s19], $0x4000  }
0x53: {  	s1 =	sadd.s32 s5, s1;
	[sflag:s19] =	ssyncset.done $0x0  }
0x54: {  	[sflag:s19] =	ssyncadd.s32 $0xFFFFC000  }
0x55: {  	[tilespmem:s4], [sflag:$0x3] =	stream.linear.gather [hbm4b:s1+s4], $0x80, $0x38;
	[tilespmem:$0x1C200] =	vst v63  }
0x56: {  	_ =	swait.ge [sflag:s19], $0x80  }
0x57: {  	[sflag:s19] =	ssyncset.done $0x0  }
0x58: {  	[sflag:s19] =	ssyncadd.s32 $0xFFFFFF80  }
0x59: {  	[tilespmem:s21], [sflag:$0x1] =	stream.indirect.gather [hbm4b:s2+s20], $0x80, s4, s20, $0xb8;
	[tilespmem:$0x1C200] =	vst v63  }
0x5a: {  	_ =	swait.ge [sflag:s25], $0x4000  }
0x5b: {  	s0 =	sadd.s32 s0, s15;
	[sflag:s25] =	ssyncset.done $0x0  }
0x5c: {  	[sflag:s25] =	ssyncadd.s32 $0xFFFFC000  }
0x5d: {  	[tilespmem:s26], [sflag:$0x3] =	stream.linear.gather [hbm4b:s0+s4], $0x80, $0x38;
	[tilespmem:$0x1C200] =	vst v63  }
0x5e: {  	p1 =	slt.s32 s30, $0x4EF80;
	s0 =	smov.u32 s30;
	_ =	swait.ge [sflag:s19], $0x80  }
0x5f: {  	s0 =	simm.s32 @!p1 $0x4EF80;
	[sflag:s19] =	ssyncset.done $0x0  }
0x60: {  	s0 =	sshll.u32 s0, $0x1;
	[sflag:s19] =	ssyncadd.s32 $0xFFFFFF80  }
0x61: {  	[spmem:s3] =	stream.indirect.scatter.add.f32 [tilespmem:s22], [sflag:$0x3], $0x80, s26, s20, $0xb8;
	[tilespmem:$0x1C200] =	vst v63  }
0x62: {  	s0 =	sor.u32 s7, s0;
	_ =	swait.ge [sflag:s19], $0x4000  }
.Ltmp0:
0x63: {  	s0 =	sshrl.u32 s0, $0x3;
	[sflag:s19] =	ssyncset.done $0x0;
	(pc) =	sbr.rel @p0 .LBB2_2-.Ltmp0, $4  }
0x64: {  	s0 =	sadd.s32 s5, s0;
	[sflag:s19] =	ssyncadd.s32 $0xFFFFC000  }
0x65: {  	[tilespmem:s20], [sflag:$0x3] =	stream.linear.gather [hbm4b:s0+s4], $0x80, $0x38;
	[tilespmem:$0x1C200] =	vst v63  }
0x66: {  	_ =	swait.ge [sflag:s19], $0x80  }
0x67: {  	[sflag:s19] =	ssyncset.done $0x0  }
0x68: {  	[sflag:s19] =	ssyncadd.s32 $0xFFFFFF80  }
0x69: {  	[tilespmem:s22], [sflag:$0x2] =	stream.indirect.gather [hbm4b:s2+s20], $0x80, s20, s20, $0xb8;
	[tilespmem:$0x1C200] =	vst v63  }
0x6a: {  	_ =	swait.ge [sflag:s23], $0x4000  }
0x6b: {  	[sflag:s23] =	ssyncset.done $0x0  }
0x6c: {  	[sflag:s23] =	ssyncadd.s32 $0xFFFFC000  }
0x6d: {  	[tilespmem:s24], [sflag:$0x3] =	stream.linear.gather [hbm4b:s11+s4], $0x80, $0x38;
	[tilespmem:$0x1C200] =	vst v63  }
0x6e: {  	_ =	swait.ge [sflag:s19], $0x80  }
0x6f: {  	[sflag:s19] =	ssyncset.done $0x0  }
0x70: {  	[sflag:s19] =	ssyncadd.s32 $0xFFFFFF80  }
0x71: {  	[spmem:s3] =	stream.indirect.scatter.add.f32 [tilespmem:s21], [sflag:$0x3], $0x80, s24, s20, $0xb8;
	[tilespmem:$0x1C200] =	vst v63  }
0x72: {  	_ =	swait.ge [sflag:s19], $0x4000  }
0x73: {  	[sflag:s19] =	ssyncset.done $0x0  }
0x74: {  	[sflag:s19] =	ssyncadd.s32 $0xFFFFC000  }
0x75: {  	_ =	swait.ge [sflag:s25], $0x4000  }
0x76: {  	s28 =	sadd.s32 $0x1, s28;
	[sflag:s25] =	ssyncset.done $0x0  }
0x77: {  	p0 =	sne.s32 s28, s13;
	[sflag:s25] =	ssyncadd.s32 $0xFFFFC000  }
.Ltmp1:
0x78: {  	[bflag:$0x0] =	sbarrier.arrive $0xFFFF;
	(pc) =	sbr.rel @p0 .LBB2_1-.Ltmp1, $4  }
0x79: {  	[hbm:s12], [sflag:s8] =	dma.local [spmem:s18], $0x2800  }
0x7a: {  	_ =	swait.ge [sflag:s19], $0x2800  }
0x7b: {  	[sflag:s19] =	ssyncset.done $0x0  }
0x7c: {  	[sflag:s19] =	ssyncadd.s32 $0xFFFFD800  }
0x7d: {  	_ =	sfence.sel $0x180000  }
0x7e: {  	[bflag:$0x0] =	sbarrier.arrive $0xFFFF  }
0x7f: {  	_ =	strace $0x90000047  }
0x80: {  	s0 =	stileid.u32;
	[bflag:$0x2] =	sbarrier.arrive $0xFFFF  }
0x81: {  	p0 =	sne.s32 s0, $0x0;
	s0 =	rddreg [dreg:$0x3]  }
0x82: {  	s0 =	sadd.s32 @!p0 $0x100000, s0  }
0x83: {  	[sflag:s0] =	ssyncadd.tile.s32 @!p0 $0x1;
	_ =	shalt  }
.Lfunc_end2:
_tile_overlayer_lowered:
.L_overlay_start_2:
0x84: {  	(tag) =	ssettag $0x2  }
0x85: {  	s0 =	rddreg [dreg:$0x0];
	s2 =	stileid.u32  }
0x86: {  	s1 =	rddreg [dreg:$0x1];
	p0 =	sne.s32 s2, $0x0  }
0x87: {  	s3 =	rddreg [dreg:$0x2];
	[bflag:$0x3] =	sbarrier.arrive $0xFFFF;
	s2 =	simm.s32 @!p0 $0x1C03  }
0x88: {  	[timem:s3], [sflag:s2] =	dma.local @!p0 [hbm:s0], s1  }
0x89: {  	s0 =	simm.s32 @!p0 $0x3  }
0x8a: {  	_ =	swait.ge @!p0 [sflag:s0], s1  }
0x8b: {  	s1 =	ssub.s32 @!p0 $0x0, s1;
	[sflag:s0] =	ssyncset.done @!p0 $0x0  }
0x8c: {  	[sflag:s0] =	ssyncadd.s32 @!p0 s1  }
0x8d: {  	[bflag:$0x3] =	sbarrier.arrive $0xFFFF  }
0x8e: {  	_ =	shalt  }

// kernel: kernel.15.cloned.1.call-start
scs
__scs_entry_jumppad:
0x0: {  	(pc) =	sbr.rel $0x88, $3  }
0x1: {  	(tag) =	ssettag $0x0;
	lr =	simm.s32 $0x1  }
0x2: {  	[smem:$0x3F8C] =	sst lr;
	_ =	strace $0xD0000000  }
0x3: {  	_ = 	snop  }
0x4: {  	_ = 	snop  }
0x5: {  	_ = 	snop  }
0x6: {  	_ = 	snop  }
0x7: {  	_ = 	snop  }
__scs_overlays_trampoline_lowered:
0x8: {  	[smem:$0x3F9B] =	sst s0  }
0x9: {  	[smem:$0x3F9C] =	sst s1  }
0xa: {  	[smem:$0x3F9D] =	sst s2  }
0xb: {  	[smem:$0x3F9E] =	sst s3  }
0xc: {  	[smem:$0x3F9F] =	sst s4  }
0xd: {  	[smem:$0x3FA0] =	sst s5  }
0xe: {  	[smem:$0x3FA1] =	sst s6  }
0xf: {  	[smem:$0x3FA2] =	sst s7  }
0x10: {  	[smem:$0x3FA3] =	sst s8  }
0x11: {  	[smem:$0x3FA4] =	sst s9;
	s0 =	simm.s32 @!p0 $0x0  }
0x12: {  	s1 =	sld [smem:$0x3F8A];
	s0 =	simm.s32 @p0 $0x1  }
0x13: {  	[smem:$0x3FA5] =	sst s0;
	s0 =	simm.s32 @!p1 $0x0  }
0x14: {  	s2 =	sld [smem:$0x3F89];
	s0 =	simm.s32 @p1 $0x1  }
0x15: {  	[smem:$0x3FA6] =	sst s0;
	s0 =	simm.s32 @!p2 $0x0  }
0x16: {  	s3 =	sld [smem:$0x3FDB];
	s0 =	simm.s32 @p2 $0x1  }
0x17: {  	s4 =	simm.s32 $0x1BF5;
	[smem:$0x3FA8] =	sst s0  }
0x18: {  	s0 =	sld [smem:$0x3F8B];
	_ =	swait.ge [sflag:s4], $0x0  }
0x19: {  	s7 =	sld [smem:$0x3F8C]  }
0x1a: {  	s8 =	sadd.s32 $0xFFFFE003, lr  }
0x1b: {  	s9 =	sadd.s32 $0xFFFFFEF7, lr;
	s5 =	simm.s32 $0xFFFFFFFF;
	p2 =	slt.u32 s8, $0xFFFFF086  }
0x1c: {  	p1 =	slt.u32 s9, $0xF7A;
	s5 =	simm.s32 @!p2 $0x0  }
0x1d: {  	s5 =	simm.s32 @p1 $0x1;
	p0 =	seq.s32 s7, s2  }
0x1e: {  	s7 =	smul.u32 @!p0 $0xF7A, s2;
	p2 =	seq.s32 @!p0 s5, $0x0  }
0x1f: {  	s9 =	smul.u32 $0xF7A, s1;
	s8 =	simm.s32 @!p0 $0x1BF5;
	p2 =	por !p2, p0  }
0x20: {  	[sflag:s8] =	ssyncset.s32 @!p0 $0xFFFFF086;
	s6 =	sadd.s32 @!p0 s3, s7;
	s7 =	simm.s32 @!p0 $0x108  }
0x21: {  	s3 =	sadd.s32 s3, s9;
	s6 =	sadd.s32 @!p0 $0x88, s6;
	s7 =	simm.s32 @p2 $0x1082  }
0x22: {  	[simem:s7], [sflag:s8] =	dma.local @!p0 [hbm:s6], $0xF7A  }
0x23: {  	s9 =	sor.u32 $0xD0000000, s2;
	s6 =	simm.s32 $0x108;
	_ =	swait.ge @!p0 [sflag:s8], $0x0  }
0x24: {  	s3 =	sadd.s32 $0x88, s3;
	s6 =	simm.s32 @!p1 $0x1082;
	[sflag:s4] =	ssyncset.s32 $0xFFFFF086  }
0x25: {  	[simem:s6], [sflag:s4] =	dma.local [hbm:s3], $0xF7A  }
0x26: {  	[smem:$0x3F8C] =	sst s1;
	(tag) =	ssettag s2;
	_ =	strace s9  }
0x27: {  	s1 =	sld [smem:$0x3F9C]  }
0x28: {  	s2 =	sld [smem:$0x3F9D]  }
0x29: {  	s4 =	sld [smem:$0x3F9F]  }
0x2a: {  	p0 =	seq.s32 s5, $0x0;
	s5 =	sld [smem:$0x3FA0]  }
0x2b: {  	s6 =	sld [smem:$0x3FA1]  }
0x2c: {  	s7 =	sld [smem:$0x3FA2]  }
0x2d: {  	s3 =	simm.s32 $0x108;
	s8 =	sld [smem:$0x3FA3]  }
0x2e: {  	s3 =	simm.s32 @!p0 $0x1082;
	s9 =	sld [smem:$0x3FA4]  }
0x2f: {  	lr =	sadd.s32 s0, s3;
	s0 =	sld [smem:$0x3F9B]  }
0x30: {  	s3 =	sld [smem:$0x3F9E]  }
0x31: {  	[smem:$0x3FA7] =	sst s10  }
0x32: {  	s10 =	sld [smem:$0x3FA5];
	_ =	sdelay $0x3  }
0x33: {  	p0 =	seq.s32 s10, $0x1;
	s10 =	sld [smem:$0x3FA7];
	_ =	sdelay $0x3  }
0x34: {  	[smem:$0x3FA7] =	sst s10  }
0x35: {  	s10 =	sld [smem:$0x3FA6];
	_ =	sdelay $0x3  }
0x36: {  	p1 =	seq.s32 s10, $0x1;
	s10 =	sld [smem:$0x3FA7];
	_ =	sdelay $0x3  }
0x37: {  	[smem:$0x3FA7] =	sst s10  }
0x38: {  	s10 =	sld [smem:$0x3FA8]  }
0x39: {  	_ = 	snop;
	(pc) =	sbr.ind lr, $3  }
0x3a: {  	_ = 	snop  }
0x3b: {  	_ = 	snop  }
0x3c: {  	p2 =	seq.s32 s10, $0x1;
	s10 =	sld [smem:$0x3FA7]  }
0x3d: {  	_ =	shalt  }
0x3e: {  	_ =	shalt  }
0x3f: {  	_ =	shalt  }
0x40: {  	_ =	shalt  }
0x41: {  	_ =	shalt  }
0x42: {  	_ =	shalt  }
0x43: {  	_ =	shalt  }
0x44: {  	_ =	shalt  }
0x45: {  	_ =	shalt  }
0x46: {  	_ =	shalt  }
0x47: {  	_ =	shalt  }
0x48: {  	_ =	shalt  }
0x49: {  	_ =	shalt  }
0x4a: {  	_ =	shalt  }
0x4b: {  	_ =	shalt  }
0x4c: {  	_ =	shalt  }
0x4d: {  	_ =	shalt  }
0x4e: {  	_ =	shalt  }
0x4f: {  	_ =	shalt  }
0x50: {  	_ =	shalt  }
0x51: {  	_ =	shalt  }
0x52: {  	_ =	shalt  }
0x53: {  	_ =	shalt  }
0x54: {  	_ =	shalt  }
0x55: {  	_ =	shalt  }
0x56: {  	_ =	shalt  }
0x57: {  	_ =	shalt  }
0x58: {  	_ =	shalt  }
0x59: {  	_ =	shalt  }
0x5a: {  	_ =	shalt  }
0x5b: {  	_ =	shalt  }
0x5c: {  	_ =	shalt  }
0x5d: {  	_ =	shalt  }
0x5e: {  	_ =	shalt  }
0x5f: {  	_ =	shalt  }
0x60: {  	_ =	shalt  }
0x61: {  	_ =	shalt  }
0x62: {  	_ =	shalt  }
0x63: {  	_ =	shalt  }
0x64: {  	_ =	shalt  }
0x65: {  	_ =	shalt  }
0x66: {  	_ =	shalt  }
0x67: {  	_ =	shalt  }
0x68: {  	_ =	shalt  }
0x69: {  	_ =	shalt  }
0x6a: {  	_ =	shalt  }
0x6b: {  	_ =	shalt  }
0x6c: {  	_ =	shalt  }
0x6d: {  	_ =	shalt  }
0x6e: {  	_ =	shalt  }
0x6f: {  	_ =	shalt  }
0x70: {  	_ =	shalt  }
0x71: {  	_ =	shalt  }
0x72: {  	_ =	shalt  }
0x73: {  	_ =	shalt  }
0x74: {  	_ =	shalt  }
0x75: {  	_ =	shalt  }
0x76: {  	_ =	shalt  }
0x77: {  	_ =	shalt  }
0x78: {  	_ =	shalt  }
0x79: {  	_ =	shalt  }
0x7a: {  	_ =	shalt  }
0x7b: {  	_ =	shalt  }
0x7c: {  	_ =	shalt  }
0x7d: {  	_ =	shalt  }
0x7e: {  	_ =	shalt  }
0x7f: {  	_ =	shalt  }
0x80: {  	_ =	shalt  }
0x81: {  	_ =	shalt  }
0x82: {  	_ =	shalt  }
0x83: {  	_ =	shalt  }
0x84: {  	_ =	shalt  }
0x85: {  	_ =	shalt  }
0x86: {  	_ =	shalt  }
0x87: {  	_ =	shalt  }
.Lfunc_end0:
.L_simem_size_0:
called_computation.1_lowered:
.L_overlay_start_0:
0x88: {  	s2 =	sld [smem:$0x3FD9]  }
0x89: {  	s3 =	sld [smem:$0x3FFE];
	_ =	sdelay $0x1  }
0x8a: {  	s1 =	srdreg.scid  }
0x8b: {  	s0 =	sand.u32 $0x1, s1  }
0x8c: {  	s16 =	sshll.u32 s0, $0xA;
	s2 =	sadd.s32 s3, s2  }
0x8d: {  	s2 =	sadd.s32 s2, s16  }
0x8e: {  	[smem:$0x3FB3] =	sst s2  }
0x8f: {  	_ = 	snop  }
0x90: {  	(tm) =	ssettm $0x1  }
0x91: {  	s17 =	sld [smem:$0x3FFB];
	_ =	sdelay $0x3  }
0x92: {  	_ =	strace s17  }
0x93: {  	s2 =	sld [smem:$0x3FFC];
	_ =	sdelay $0x3  }
0x94: {  	_ =	strace s2  }
0x95: {  	s2 =	sld [smem:$0x3FFD];
	_ =	sdelay $0x3  }
0x96: {  	_ =	strace s2  }
0x97: {  	_ =	strace $0x8FFFFFFF  }
0x98: {  	s18 =	sld [smem:$0x3FDB];
	_ =	sdelay $0x1  }
0x99: {  	s19 =	simm.s32 $_scs_section_size  }
0x9a: {  	s4 =	simm.s32 $_size__tile_overlayer_lowered;
	s5 =	simm.s32 $_tile_overlayer_lowered  }
0x9b: {  	s22 =	simm.s32 $0x1BFF;
	s21 =	sshll.u32 s5, $0x1;
	s2 =	sadd.s32 s19, s18  }
0x9c: {  	s6 =	simm.s32 $0x0;
	s20 =	sshll.u32 s4, $0x1;
	s4 =	sadd.s32 s21, s2  }
0x9d: {  	[timem:s6], [sflag:s22] =	dma.local [hbm:s4], s20  }
0x9e: {  	_ =	swait.ge [sflag:s22], s20  }
0x9f: {  	s3 =	ssub.s32 $0x0, s20;
	[sflag:s22] =	ssyncset.done $0x0  }
0xa0: {  	[sflag:s22] =	ssyncadd.s32 s3;
	_ =	sdelay $0x1  }
0xa1: {  	s23 =	simm.s32 $0x1B8B  }
0xa2: {  	_ =	swait.ge [sflag:s23], $0x1  }
0xa3: {  	[sflag:s23] =	ssyncset.done $0x0  }
0xa4: {  	s25 =	simm.s32 $0x1B8E;
	s24 =	sld [smem:$0x3FFE];
	[sflag:s23] =	ssyncadd.s32 $0xFFFFFFFF  }
0xa5: {  	s26 =	simm.s32 $execute0_lowered;
	[smem:$0x3FD2] =	sst s25  }
0xa6: {  	s4 =	sshll.u32 s26, $0x1;
	_ =	strace $0x80000049;
	[dreg:$0x1] =	wrdreg $0xFFFFFFFF  }
0xa7: {  	s28 =	simm.s32 $_size_execute0_lowered;
	s2 =	sadd.s32 s2, s4;
	[dreg:$0x0] =	wrdreg $0x0  }
0xa8: {  	s4 =	sshll.u32 s28, $0x1;
	[dreg:$0x2] =	wrdreg s2  }
0xa9: {  	[dreg:$0x3] =	wrdreg s4  }
0xaa: {  	[dreg:$0x4] =	wrdreg $0xC0  }
0xab: {  	_ =	task [dreg:s6], $0x5FFFF  }
0xac: {  	[dreg:$0x1] =	wrdreg $0xFFFFFFFF  }
0xad: {  	[dreg:$0x0] =	wrdreg $0x60  }
0xae: {  	[dreg:$0x2] =	wrdreg s24  }
0xaf: {  	[dreg:$0x3] =	wrdreg $0x82000  }
0xb0: {  	[dreg:$0x4] =	wrdreg $0x9  }
0xb1: {  	_ =	task.clear_ibuf [dreg:s6], $0x5FFFF;
	_ =	strace $0x90000049  }
0xb2: {  	s29 =	simm.s32 $0x9;
	_ =	strace $0x8000004B  }
0xb3: {  	_ =	swait.ge [sflag:s29], $0x1  }
0xb4: {  	[sflag:s29] =	ssyncadd.s32 $0xFFFFFFFF  }
0xb5: {  	_ =	strace $0x9000004B  }
0xb6: {  	_ =	sfence  }
0xb7: {  	s30 =	sld [smem:$0x0];
	_ =	sdelay $0x2  }
0xb8: {  	s31 =	sshll.u32 s1, $0xD;
	s1 =	sshrl.u32 s1, $0x2  }
0xb9: {  	s3 =	sand.u32 $0x4000, s31;
	s1 =	sadd.s32 s1, s30  }
0xba: {  	s0 =	sor.u32 s3, s0;
	s1 =	sshll.u32 s1, $0x11  }
0xbb: {  	s0 =	sor.u32 s1, s0  }
0xbc: {  	s0 =	sadd.s32 $0x8F2B, s0  }
0xbd: {  	[sflag:s0] =	ssyncadd.remote.s32 $0x1  }
0xbe: {  	_ =	sfence.sel $0xFFFF  }
0xbf: {  	[dreg:$0x0] =	wrdreg $0xFFFFFFFF;
	(pc) =	sbr.abs _section_cstart, $3  }
0xc0: {  	[dreg:$0x1] =	wrdreg $0xFFFFFFFF  }
0xc1: {  	_ =	task.clear_ibuf [dreg:s6], $0x2FFFF;
	_ =	strace $0x9FFFFFFF  }
0xc2: {  	(tm) =	ssettm $0x7FFFFFFF  }
0xc3: {  	_ =	shalt  }
tec
execute0_lowered:
.L_overlay_start_1:
0x0: {  	(tag) =	ssettag $0x1  }
0x1: {  	s6 =	rddreg [dreg:$0x0]  }
0x2: {  	s2 =	rddreg [dreg:$0x1];
	s1 =	stileid.u32  }
0x3: {  	s0 =	rddreg [dreg:$0x2];
	s3 =	simm.s32 $0x0;
	s7 =	smul.u32 $0x9E0, s1  }
0x4: {  	s4 =	srdreg.scid;
	s18 =	simm.s32 $0x200;
	s8 =	smul.u32 $0x14000, s1  }
0x5: {  	s19 =	simm.s32 $0x4200;
	s20 =	simm.s32 $0x1;
	s23 =	smul.u32 $0x50000, s1  }
0x6: {  	[smem:$0x7FF] =	sst s3;
	s9 =	sand.u32 $0x1, s4;
	s13 =	smul.u32 $0x4F00, s1  }
0x7: {  	s4 =	sadd.s32 $0x5EE00, s6;
	s5 =	sadd.s32 $0x19400, s6;
	s26 =	smul.u32 $0x9E00, s1  }
0x8: {  	s29 =	sshll.u32 s1, $0x6;
	_ =	strace $0x8000004A;
	s10 =	smul.u32 $0x140000, s9  }
0x9: {  	s22 =	ssub.s32 $0x2, s9;
	s11 =	sshrl.u32 s8, $0x3;
	s14 =	sadd.s32 s7, s6  }
0xa: {  	s24 =	sshrl.u32 s22, $0x1;
	s25 =	sshrl.u32 s23, $0x2;
	s28 =	sshll.u32 s13, $0x1  }
0xb: {  	s23 =	simm.s32 $0x180;
	s21 =	sadd.s32 s11, s6;
	s8 =	sadd.s32 s8, s10  }
0xc: {  	s15 =	ssub.s32 s22, s24;
	s16 =	sadd.s32 s25, s2;
	s11 =	sadd.s32 $0x180, s13  }
0xd: {  	s14 =	sadd.s32 $0x2D000, s14;
	s22 =	simm.s32 $0x2;
	s24 =	simm.s32 $0x0  }
0xe: {  	s8 =	sshrl.u32 s8, $0x3;
	s7 =	sadd.s32 $0x36E00, s21;
	s13 =	smax.u32 s15, $0x1  }
0xf: {  	s15 =	sshrl.u32 s16, $0x3;
	s12 =	sadd.s32 s8, s6;
	s6 =	sshll.u32 s9, $0x7  }
0x10: {  	s16 =	simm.s32 $0x3;
	s21 =	simm.s32 $0x100;
	s9 =	sor.u32 s6, s28  }
0x11: {  	s8 =	sor.u32 s6, s26;
	s12 =	sadd.s32 $0xAD000, s12;
	s17 =	sor.u32 $0x100, s9  }
0x12: {  	s30 =	sshrl.u32 s8, $0x3;
	s8 =	sor.u32 $0x1C03, s29;
	s31 =	sshrl.u32 s17, $0x3  }
0x13: {  	s9 =	sadd.s32 s5, s30;
	s17 =	simm.s32 $0x80;
	s10 =	sadd.s32 s5, s31  }
.LBB2_1:
0x14: {  	[spmem:s15], [sflag:s8] =	dma.local [hbm:s7], $0x2800  }
0x15: {  	_ =	swait.ge [sflag:s16], $0x2800  }
0x16: {  	[sflag:s16] =	ssyncset.done $0x0  }
0x17: {  	[sflag:s16] =	ssyncadd.s32 $0xFFFFD800  }
0x18: {  	[bflag:$0x0] =	sbarrier.arrive $0xFFFF  }
0x19: {  	[tilespmem:s3], [sflag:$0x3] =	stream.linear.gather [hbm4b:s9+s3], $0x80, $0x38;
	[tilespmem:$0x1C200] =	vst v63  }
0x1a: {  	_ =	swait.ge [sflag:s16], $0x80  }
0x1b: {  	[sflag:s16] =	ssyncset.done $0x0  }
0x1c: {  	[sflag:s16] =	ssyncadd.s32 $0xFFFFFF80  }
0x1d: {  	[tilespmem:s18], [sflag:$0x1] =	stream.indirect.gather [hbm4b:s4+s17], $0x80, s3, s17, $0xb8;
	[tilespmem:$0x1C200] =	vst v63  }
0x1e: {  	_ = 	snop  }
0x1f: {  	[tilespmem:s17], [sflag:$0x3] =	stream.linear.gather [hbm4b:s10+s3], $0x80, $0x38;
	[tilespmem:$0x1C200] =	vst v63  }
0x20: {  	_ =	swait.ge [sflag:s16], $0x80  }
0x21: {  	[sflag:s16] =	ssyncset.done $0x0  }
0x22: {  	[sflag:s16] =	ssyncadd.s32 $0xFFFFFF80  }
0x23: {  	[tilespmem:s19], [sflag:$0x2] =	stream.indirect.gather [hbm4b:s4+s17], $0x80, s17, s17, $0xb8;
	[tilespmem:$0x1C200] =	vst v63  }
0x24: {  	_ =	swait.ge [sflag:s20], $0x4000  }
0x25: {  	[sflag:s20] =	ssyncset.done $0x0  }
0x26: {  	s25 =	sadd.s32 $0x0, s14;
	s26 =	sadd.s32 $0xFFFFFF80, s11;
	[sflag:s20] =	ssyncadd.s32 $0xFFFFC000  }
0x27: {  	[tilespmem:s21], [sflag:$0x3] =	stream.linear.gather [hbm4b:s25+s3], $0x80, $0x38;
	[tilespmem:$0x1C200] =	vst v63  }
0x28: {  	p0 =	slt.s32 s26, $0x4EF80;
	_ =	swait.ge [sflag:s16], $0x80  }
0x29: {  	s26 =	simm.s32 @!p0 $0x4EF80;
	[sflag:s16] =	ssyncset.done $0x0  }
0x2a: {  	s26 =	sshll.u32 s26, $0x1;
	[sflag:s16] =	ssyncadd.s32 $0xFFFFFF80  }
0x2b: {  	[spmem:s2] =	stream.indirect.scatter.add.f32 [tilespmem:s18], [sflag:$0x3], $0x80, s21, s17, $0xb8;
	[tilespmem:$0x1C200] =	vst v63  }
0x2c: {  	s26 =	sor.u32 s6, s26;
	_ =	swait.ge [sflag:s16], $0x4000  }
0x2d: {  	s26 =	sshrl.u32 s26, $0x3;
	[sflag:s16] =	ssyncset.done $0x0  }
0x2e: {  	s26 =	sadd.s32 s5, s26;
	[sflag:s16] =	ssyncadd.s32 $0xFFFFC000  }
0x2f: {  	[tilespmem:s3], [sflag:$0x3] =	stream.linear.gather [hbm4b:s26+s3], $0x80, $0x38;
	[tilespmem:$0x1C200] =	vst v63  }
0x30: {  	_ =	swait.ge [sflag:s16], $0x80  }
0x31: {  	[sflag:s16] =	ssyncset.done $0x0  }
0x32: {  	[sflag:s16] =	ssyncadd.s32 $0xFFFFFF80  }
0x33: {  	[tilespmem:s18], [sflag:$0x1] =	stream.indirect.gather [hbm4b:s4+s17], $0x80, s3, s17, $0xb8;
	[tilespmem:$0x1C200] =	vst v63  }
0x34: {  	_ =	swait.ge [sflag:s22], $0x4000  }
0x35: {  	[sflag:s22] =	ssyncset.done $0x0  }
0x36: {  	s25 =	sadd.s32 $0x10, s25;
	[sflag:s22] =	ssyncadd.s32 $0xFFFFC000  }
0x37: {  	[tilespmem:s23], [sflag:$0x3] =	stream.linear.gather [hbm4b:s25+s3], $0x80, $0x38;
	[tilespmem:$0x1C200] =	vst v63  }
0x38: {  	p0 =	slt.s32 s11, $0x4EF80;
	s25 =	smov.u32 s11;
	_ =	swait.ge [sflag:s16], $0x80  }
0x39: {  	s25 =	simm.s32 @!p0 $0x4EF80;
	[sflag:s16] =	ssyncset.done $0x0  }
0x3a: {  	s25 =	sshll.u32 s25, $0x1;
	[sflag:s16] =	ssyncadd.s32 $0xFFFFFF80  }
0x3b: {  	[spmem:s2] =	stream.indirect.scatter.add.f32 [tilespmem:s19], [sflag:$0x3], $0x80, s23, s17, $0xb8;
	[tilespmem:$0x1C200] =	vst v63  }
0x3c: {  	s25 =	sor.u32 s6, s25;
	_ =	swait.ge [sflag:s16], $0x4000  }
0x3d: {  	s25 =	sshrl.u32 s25, $0x3;
	[sflag:s16] =	ssyncset.done $0x0  }
0x3e: {  	s25 =	sadd.s32 s5, s25;
	[sflag:s16] =	ssyncadd.s32 $0xFFFFC000  }
0x3f: {  	[tilespmem:s17], [sflag:$0x3] =	stream.linear.gather [hbm4b:s25+s3], $0x80, $0x38;
	[tilespmem:$0x1C200] =	vst v63  }
0x40: {  	_ =	swait.ge [sflag:s16], $0x80  }
0x41: {  	s26 =	smov.u32 s11;
	s25 =	simm.s32 $0x20;
	[sflag:s16] =	ssyncset.done $0x0  }
.LBB2_2:
0x42: {  	p0 =	sne.s32 s25, $0x9C0;
	[sflag:s16] =	ssyncadd.s32 $0xFFFFFF80;
	s26 =	sadd.s32 $0x100, s26  }
0x43: {  	[tilespmem:s19], [sflag:$0x2] =	stream.indirect.gather [hbm4b:s4+s17], $0x80, s17, s17, $0xb8;
	[tilespmem:$0x1C200] =	vst v63  }
0x44: {  	s28 =	smov.u32 s25;
	s25 =	sadd.s32 $0x20, s25;
	_ =	swait.ge [sflag:s20], $0x4000  }
0x45: {  	s28 =	sadd.s32 s28, s14;
	[sflag:s20] =	ssyncset.done $0x0  }
0x46: {  	s29 =	sadd.s32 $0xFFFFFF80, s26;
	[sflag:s20] =	ssyncadd.s32 $0xFFFFC000  }
0x47: {  	[tilespmem:s21], [sflag:$0x3] =	stream.linear.gather [hbm4b:s28+s3], $0x80, $0x38;
	[tilespmem:$0x1C200] =	vst v63  }
0x48: {  	p1 =	slt.s32 s29, $0x4EF80;
	_ =	swait.ge [sflag:s16], $0x80  }
0x49: {  	s29 =	simm.s32 @!p1 $0x4EF80;
	[sflag:s16] =	ssyncset.done $0x0  }
0x4a: {  	s29 =	sshll.u32 s29, $0x1;
	[sflag:s16] =	ssyncadd.s32 $0xFFFFFF80  }
0x4b: {  	[spmem:s2] =	stream.indirect.scatter.add.f32 [tilespmem:s18], [sflag:$0x3], $0x80, s21, s17, $0xb8;
	[tilespmem:$0x1C200] =	vst v63  }
0x4c: {  	s29 =	sor.u32 s6, s29;
	_ =	swait.ge [sflag:s16], $0x4000  }
0x4d: {  	s29 =	sshrl.u32 s29, $0x3;
	[sflag:s16] =	ssyncset.done $0x0  }
0x4e: {  	s29 =	sadd.s32 s5, s29;
	[sflag:s16] =	ssyncadd.s32 $0xFFFFC000  }
0x4f: {  	[tilespmem:s3], [sflag:$0x3] =	stream.linear.gather [hbm4b:s29+s3], $0x80, $0x38;
	[tilespmem:$0x1C200] =	vst v63  }
0x50: {  	_ =	swait.ge [sflag:s16], $0x80  }
0x51: {  	[sflag:s16] =	ssyncset.done $0x0  }
0x52: {  	[sflag:s16] =	ssyncadd.s32 $0xFFFFFF80  }
0x53: {  	[tilespmem:s18], [sflag:$0x1] =	stream.indirect.gather [hbm4b:s4+s17], $0x80, s3, s17, $0xb8;
	[tilespmem:$0x1C200] =	vst v63  }
0x54: {  	_ =	swait.ge [sflag:s22], $0x4000  }
0x55: {  	s28 =	sadd.s32 $0x10, s28;
	[sflag:s22] =	ssyncset.done $0x0  }
0x56: {  	[sflag:s22] =	ssyncadd.s32 $0xFFFFC000  }
0x57: {  	[tilespmem:s23], [sflag:$0x3] =	stream.linear.gather [hbm4b:s28+s3], $0x80, $0x38;
	[tilespmem:$0x1C200] =	vst v63  }
0x58: {  	p1 =	slt.s32 s26, $0x4EF80;
	s28 =	smov.u32 s26;
	_ =	swait.ge [sflag:s16], $0x80  }
0x59: {  	s28 =	simm.s32 @!p1 $0x4EF80;
	[sflag:s16] =	ssyncset.done $0x0  }
0x5a: {  	s28 =	sshll.u32 s28, $0x1;
	[sflag:s16] =	ssyncadd.s32 $0xFFFFFF80  }
0x5b: {  	[spmem:s2] =	stream.indirect.scatter.add.f32 [tilespmem:s19], [sflag:$0x3], $0x80, s23, s17, $0xb8;
	[tilespmem:$0x1C200] =	vst v63  }
0x5c: {  	s28 =	sor.u32 s6, s28;
	_ =	swait.ge [sflag:s16], $0x4000  }
.Ltmp0:
0x5d: {  	s28 =	sshrl.u32 s28, $0x3;
	[sflag:s16] =	ssyncset.done $0x0;
	(pc) =	sbr.rel @p0 .LBB2_2-.Ltmp0, $4  }
0x5e: {  	s28 =	sadd.s32 s5, s28;
	[sflag:s16] =	ssyncadd.s32 $0xFFFFC000  }
0x5f: {  	[tilespmem:s17], [sflag:$0x3] =	stream.linear.gather [hbm4b:s28+s3], $0x80, $0x38;
	[tilespmem:$0x1C200] =	vst v63  }
0x60: {  	_ =	swait.ge [sflag:s16], $0x80  }
0x61: {  	[sflag:s16] =	ssyncset.done $0x0  }
0x62: {  	[sflag:s16] =	ssyncadd.s32 $0xFFFFFF80  }
0x63: {  	[tilespmem:s19], [sflag:$0x2] =	stream.indirect.gather [hbm4b:s4+s17], $0x80, s17, s17, $0xb8;
	[tilespmem:$0x1C200] =	vst v63  }
0x64: {  	_ =	swait.ge [sflag:s20], $0x4000  }
0x65: {  	[sflag:s20] =	ssyncset.done $0x0  }
0x66: {  	[sflag:s20] =	ssyncadd.s32 $0xFFFFC000  }
0x67: {  	_ =	swait.ge [sflag:s22], $0x4000  }
0x68: {  	s24 =	sadd.s32 $0x1, s24;
	[sflag:s22] =	ssyncset.done $0x0  }
0x69: {  	p0 =	sne.s32 s24, s13;
	[sflag:s22] =	ssyncadd.s32 $0xFFFFC000  }
.Ltmp1:
0x6a: {  	[bflag:$0x0] =	sbarrier.arrive $0xFFFF;
	(pc) =	sbr.rel @p0 .LBB2_1-.Ltmp1, $4  }
0x6b: {  	[hbm:s12], [sflag:s8] =	dma.local [spmem:s15], $0x2800  }
0x6c: {  	_ =	swait.ge [sflag:s16], $0x2800  }
0x6d: {  	[sflag:s16] =	ssyncset.done $0x0  }
0x6e: {  	[sflag:s16] =	ssyncadd.s32 $0xFFFFD800  }
0x6f: {  	_ =	sfence.sel $0x180000  }
0x70: {  	[bflag:$0x0] =	sbarrier.arrive $0xFFFF  }
0x71: {  	p0 =	sne.s32 s1, $0x0;
	_ =	strace $0x9000004A  }
0x72: {  	s0 =	sadd.s32 @!p0 $0x100000, s0;
	[bflag:$0x2] =	sbarrier.arrive $0xFFFF  }
0x73: {  	[sflag:s0] =	ssyncadd.tile.s32 @!p0 $0x1;
	_ =	shalt  }
.Lfunc_end2:
_tile_overlayer_lowered:
.L_overlay_start_2:
0x74: {  	(tag) =	ssettag $0x2  }
0x75: {  	s0 =	rddreg [dreg:$0x0];
	s2 =	stileid.u32  }
0x76: {  	s1 =	rddreg [dreg:$0x1];
	p0 =	sne.s32 s2, $0x0  }
0x77: {  	s3 =	rddreg [dreg:$0x2];
	[bflag:$0x3] =	sbarrier.arrive $0xFFFF;
	s2 =	simm.s32 @!p0 $0x1C03  }
0x78: {  	[timem:s3], [sflag:s2] =	dma.local @!p0 [hbm:s0], s1  }
0x79: {  	s0 =	simm.s32 @!p0 $0x3  }
0x7a: {  	_ =	swait.ge @!p0 [sflag:s0], s1  }
0x7b: {  	s1 =	ssub.s32 @!p0 $0x0, s1;
	[sflag:s0] =	ssyncset.done @!p0 $0x0  }
0x7c: {  	[sflag:s0] =	ssyncadd.s32 @!p0 s1  }
0x7d: {  	[bflag:$0x3] =	sbarrier.arrive $0xFFFF  }
0x7e: {  	_ =	shalt  }

// kernel: kernel.18.cloned.1.call-start
scs
__scs_entry_jumppad:
0x0: {  	(pc) =	sbr.rel $0x88, $3  }
0x1: {  	(tag) =	ssettag $0x0;
	lr =	simm.s32 $0x1  }
0x2: {  	[smem:$0x3F8C] =	sst lr;
	_ =	strace $0xD0000000  }
0x3: {  	_ = 	snop  }
0x4: {  	_ = 	snop  }
0x5: {  	_ = 	snop  }
0x6: {  	_ = 	snop  }
0x7: {  	_ = 	snop  }
__scs_overlays_trampoline_lowered:
0x8: {  	[smem:$0x3F9B] =	sst s0  }
0x9: {  	[smem:$0x3F9C] =	sst s1  }
0xa: {  	[smem:$0x3F9D] =	sst s2  }
0xb: {  	[smem:$0x3F9E] =	sst s3  }
0xc: {  	[smem:$0x3F9F] =	sst s4  }
0xd: {  	[smem:$0x3FA0] =	sst s5  }
0xe: {  	[smem:$0x3FA1] =	sst s6  }
0xf: {  	[smem:$0x3FA2] =	sst s7  }
0x10: {  	[smem:$0x3FA3] =	sst s8  }
0x11: {  	[smem:$0x3FA4] =	sst s9;
	s0 =	simm.s32 @!p0 $0x0  }
0x12: {  	s1 =	sld [smem:$0x3F8A];
	s0 =	simm.s32 @p0 $0x1  }
0x13: {  	[smem:$0x3FA5] =	sst s0;
	s0 =	simm.s32 @!p1 $0x0  }
0x14: {  	s2 =	sld [smem:$0x3F89];
	s0 =	simm.s32 @p1 $0x1  }
0x15: {  	[smem:$0x3FA6] =	sst s0;
	s0 =	simm.s32 @!p2 $0x0  }
0x16: {  	s3 =	sld [smem:$0x3FDB];
	s0 =	simm.s32 @p2 $0x1  }
0x17: {  	s4 =	simm.s32 $0x1BF5;
	[smem:$0x3FA8] =	sst s0  }
0x18: {  	s0 =	sld [smem:$0x3F8B];
	_ =	swait.ge [sflag:s4], $0x0  }
0x19: {  	s7 =	sld [smem:$0x3F8C]  }
0x1a: {  	s8 =	sadd.s32 $0xFFFFE003, lr  }
0x1b: {  	s9 =	sadd.s32 $0xFFFFFEF7, lr;
	s5 =	simm.s32 $0xFFFFFFFF;
	p2 =	slt.u32 s8, $0xFFFFF086  }
0x1c: {  	p1 =	slt.u32 s9, $0xF7A;
	s5 =	simm.s32 @!p2 $0x0  }
0x1d: {  	s5 =	simm.s32 @p1 $0x1;
	p0 =	seq.s32 s7, s2  }
0x1e: {  	s7 =	smul.u32 @!p0 $0xF7A, s2;
	p2 =	seq.s32 @!p0 s5, $0x0  }
0x1f: {  	s9 =	smul.u32 $0xF7A, s1;
	s8 =	simm.s32 @!p0 $0x1BF5;
	p2 =	por !p2, p0  }
0x20: {  	[sflag:s8] =	ssyncset.s32 @!p0 $0xFFFFF086;
	s6 =	sadd.s32 @!p0 s3, s7;
	s7 =	simm.s32 @!p0 $0x108  }
0x21: {  	s3 =	sadd.s32 s3, s9;
	s6 =	sadd.s32 @!p0 $0x88, s6;
	s7 =	simm.s32 @p2 $0x1082  }
0x22: {  	[simem:s7], [sflag:s8] =	dma.local @!p0 [hbm:s6], $0xF7A  }
0x23: {  	s9 =	sor.u32 $0xD0000000, s2;
	s6 =	simm.s32 $0x108;
	_ =	swait.ge @!p0 [sflag:s8], $0x0  }
0x24: {  	s3 =	sadd.s32 $0x88, s3;
	s6 =	simm.s32 @!p1 $0x1082;
	[sflag:s4] =	ssyncset.s32 $0xFFFFF086  }
0x25: {  	[simem:s6], [sflag:s4] =	dma.local [hbm:s3], $0xF7A  }
0x26: {  	[smem:$0x3F8C] =	sst s1;
	(tag) =	ssettag s2;
	_ =	strace s9  }
0x27: {  	s1 =	sld [smem:$0x3F9C]  }
0x28: {  	s2 =	sld [smem:$0x3F9D]  }
0x29: {  	s4 =	sld [smem:$0x3F9F]  }
0x2a: {  	p0 =	seq.s32 s5, $0x0;
	s5 =	sld [smem:$0x3FA0]  }
0x2b: {  	s6 =	sld [smem:$0x3FA1]  }
0x2c: {  	s7 =	sld [smem:$0x3FA2]  }
0x2d: {  	s3 =	simm.s32 $0x108;
	s8 =	sld [smem:$0x3FA3]  }
0x2e: {  	s3 =	simm.s32 @!p0 $0x1082;
	s9 =	sld [smem:$0x3FA4]  }
0x2f: {  	lr =	sadd.s32 s0, s3;
	s0 =	sld [smem:$0x3F9B]  }
0x30: {  	s3 =	sld [smem:$0x3F9E]  }
0x31: {  	[smem:$0x3FA7] =	sst s10  }
0x32: {  	s10 =	sld [smem:$0x3FA5];
	_ =	sdelay $0x3  }
0x33: {  	p0 =	seq.s32 s10, $0x1;
	s10 =	sld [smem:$0x3FA7];
	_ =	sdelay $0x3  }
0x34: {  	[smem:$0x3FA7] =	sst s10  }
0x35: {  	s10 =	sld [smem:$0x3FA6];
	_ =	sdelay $0x3  }
0x36: {  	p1 =	seq.s32 s10, $0x1;
	s10 =	sld [smem:$0x3FA7];
	_ =	sdelay $0x3  }
0x37: {  	[smem:$0x3FA7] =	sst s10  }
0x38: {  	s10 =	sld [smem:$0x3FA8]  }
0x39: {  	_ = 	snop;
	(pc) =	sbr.ind lr, $3  }
0x3a: {  	_ = 	snop  }
0x3b: {  	_ = 	snop  }
0x3c: {  	p2 =	seq.s32 s10, $0x1;
	s10 =	sld [smem:$0x3FA7]  }
0x3d: {  	_ =	shalt  }
0x3e: {  	_ =	shalt  }
0x3f: {  	_ =	shalt  }
0x40: {  	_ =	shalt  }
0x41: {  	_ =	shalt  }
0x42: {  	_ =	shalt  }
0x43: {  	_ =	shalt  }
0x44: {  	_ =	shalt  }
0x45: {  	_ =	shalt  }
0x46: {  	_ =	shalt  }
0x47: {  	_ =	shalt  }
0x48: {  	_ =	shalt  }
0x49: {  	_ =	shalt  }
0x4a: {  	_ =	shalt  }
0x4b: {  	_ =	shalt  }
0x4c: {  	_ =	shalt  }
0x4d: {  	_ =	shalt  }
0x4e: {  	_ =	shalt  }
0x4f: {  	_ =	shalt  }
0x50: {  	_ =	shalt  }
0x51: {  	_ =	shalt  }
0x52: {  	_ =	shalt  }
0x53: {  	_ =	shalt  }
0x54: {  	_ =	shalt  }
0x55: {  	_ =	shalt  }
0x56: {  	_ =	shalt  }
0x57: {  	_ =	shalt  }
0x58: {  	_ =	shalt  }
0x59: {  	_ =	shalt  }
0x5a: {  	_ =	shalt  }
0x5b: {  	_ =	shalt  }
0x5c: {  	_ =	shalt  }
0x5d: {  	_ =	shalt  }
0x5e: {  	_ =	shalt  }
0x5f: {  	_ =	shalt  }
0x60: {  	_ =	shalt  }
0x61: {  	_ =	shalt  }
0x62: {  	_ =	shalt  }
0x63: {  	_ =	shalt  }
0x64: {  	_ =	shalt  }
0x65: {  	_ =	shalt  }
0x66: {  	_ =	shalt  }
0x67: {  	_ =	shalt  }
0x68: {  	_ =	shalt  }
0x69: {  	_ =	shalt  }
0x6a: {  	_ =	shalt  }
0x6b: {  	_ =	shalt  }
0x6c: {  	_ =	shalt  }
0x6d: {  	_ =	shalt  }
0x6e: {  	_ =	shalt  }
0x6f: {  	_ =	shalt  }
0x70: {  	_ =	shalt  }
0x71: {  	_ =	shalt  }
0x72: {  	_ =	shalt  }
0x73: {  	_ =	shalt  }
0x74: {  	_ =	shalt  }
0x75: {  	_ =	shalt  }
0x76: {  	_ =	shalt  }
0x77: {  	_ =	shalt  }
0x78: {  	_ =	shalt  }
0x79: {  	_ =	shalt  }
0x7a: {  	_ =	shalt  }
0x7b: {  	_ =	shalt  }
0x7c: {  	_ =	shalt  }
0x7d: {  	_ =	shalt  }
0x7e: {  	_ =	shalt  }
0x7f: {  	_ =	shalt  }
0x80: {  	_ =	shalt  }
0x81: {  	_ =	shalt  }
0x82: {  	_ =	shalt  }
0x83: {  	_ =	shalt  }
0x84: {  	_ =	shalt  }
0x85: {  	_ =	shalt  }
0x86: {  	_ =	shalt  }
0x87: {  	_ =	shalt  }
.Lfunc_end0:
.L_simem_size_0:
called_computation.2_lowered:
.L_overlay_start_0:
0x88: {  	s2 =	sld [smem:$0x3FD9]  }
0x89: {  	s3 =	sld [smem:$0x3FFE];
	_ =	sdelay $0x1  }
0x8a: {  	s1 =	srdreg.scid  }
0x8b: {  	s0 =	sand.u32 $0x1, s1  }
0x8c: {  	s16 =	sshll.u32 s0, $0xA;
	s2 =	sadd.s32 s3, s2  }
0x8d: {  	s2 =	sadd.s32 s2, s16  }
0x8e: {  	[smem:$0x3FB3] =	sst s2  }
0x8f: {  	_ = 	snop  }
0x90: {  	(tm) =	ssettm $0x1  }
0x91: {  	s17 =	sld [smem:$0x3FFB];
	_ =	sdelay $0x3  }
0x92: {  	_ =	strace s17  }
0x93: {  	s2 =	sld [smem:$0x3FFC];
	_ =	sdelay $0x3  }
0x94: {  	_ =	strace s2  }
0x95: {  	s2 =	sld [smem:$0x3FFD];
	_ =	sdelay $0x3  }
0x96: {  	_ =	strace s2  }
0x97: {  	_ =	strace $0x8FFFFFFF  }
0x98: {  	s18 =	sld [smem:$0x3FDB];
	_ =	sdelay $0x1  }
0x99: {  	s19 =	simm.s32 $_scs_section_size  }
0x9a: {  	s4 =	simm.s32 $_size__tile_overlayer_lowered;
	s5 =	simm.s32 $_tile_overlayer_lowered  }
0x9b: {  	s22 =	simm.s32 $0x1BFF;
	s21 =	sshll.u32 s5, $0x1;
	s2 =	sadd.s32 s19, s18  }
0x9c: {  	s6 =	simm.s32 $0x0;
	s20 =	sshll.u32 s4, $0x1;
	s4 =	sadd.s32 s21, s2  }
0x9d: {  	[timem:s6], [sflag:s22] =	dma.local [hbm:s4], s20  }
0x9e: {  	_ =	swait.ge [sflag:s22], s20  }
0x9f: {  	s3 =	ssub.s32 $0x0, s20;
	[sflag:s22] =	ssyncset.done $0x0  }
0xa0: {  	[sflag:s22] =	ssyncadd.s32 s3;
	_ =	sdelay $0x1  }
0xa1: {  	s23 =	simm.s32 $0x1B8B  }
0xa2: {  	_ =	swait.ge [sflag:s23], $0x1  }
0xa3: {  	[sflag:s23] =	ssyncset.done $0x0  }
0xa4: {  	s25 =	simm.s32 $0x1B8E;
	s24 =	sld [smem:$0x3FFE];
	[sflag:s23] =	ssyncadd.s32 $0xFFFFFFFF  }
0xa5: {  	s26 =	simm.s32 $execute0_lowered;
	[smem:$0x3FD2] =	sst s25  }
0xa6: {  	s4 =	sshll.u32 s26, $0x1;
	_ =	strace $0x8000004C;
	[dreg:$0x1] =	wrdreg $0xFFFFFFFF  }
0xa7: {  	s28 =	simm.s32 $_size_execute0_lowered;
	s2 =	sadd.s32 s2, s4;
	[dreg:$0x0] =	wrdreg $0x0  }
0xa8: {  	s4 =	sshll.u32 s28, $0x1;
	[dreg:$0x2] =	wrdreg s2  }
0xa9: {  	[dreg:$0x3] =	wrdreg s4  }
0xaa: {  	[dreg:$0x4] =	wrdreg $0xC0  }
0xab: {  	_ =	task [dreg:s6], $0x5FFFF  }
0xac: {  	[dreg:$0x1] =	wrdreg $0xFFFFFFFF  }
0xad: {  	[dreg:$0x0] =	wrdreg $0x60  }
0xae: {  	[dreg:$0x2] =	wrdreg s24  }
0xaf: {  	[dreg:$0x3] =	wrdreg $0x82000  }
0xb0: {  	[dreg:$0x4] =	wrdreg $0x9  }
0xb1: {  	_ =	task.clear_ibuf [dreg:s6], $0x5FFFF;
	_ =	strace $0x9000004C  }
0xb2: {  	s29 =	simm.s32 $0x9;
	_ =	strace $0x8000004E  }
0xb3: {  	_ =	swait.ge [sflag:s29], $0x1  }
0xb4: {  	[sflag:s29] =	ssyncadd.s32 $0xFFFFFFFF  }
0xb5: {  	_ =	strace $0x9000004E  }
0xb6: {  	_ =	sfence  }
0xb7: {  	s30 =	sld [smem:$0x0];
	_ =	sdelay $0x2  }
0xb8: {  	s31 =	sshll.u32 s1, $0xD;
	s1 =	sshrl.u32 s1, $0x2  }
0xb9: {  	s3 =	sand.u32 $0x4000, s31;
	s1 =	sadd.s32 s1, s30  }
0xba: {  	s0 =	sor.u32 s3, s0;
	s1 =	sshll.u32 s1, $0x11  }
0xbb: {  	s0 =	sor.u32 s1, s0  }
0xbc: {  	s0 =	sadd.s32 $0x8F2B, s0  }
0xbd: {  	[sflag:s0] =	ssyncadd.remote.s32 $0x1  }
0xbe: {  	_ =	sfence.sel $0xFFFF  }
0xbf: {  	[dreg:$0x0] =	wrdreg $0xFFFFFFFF;
	(pc) =	sbr.abs _section_cstart, $3  }
0xc0: {  	[dreg:$0x1] =	wrdreg $0xFFFFFFFF  }
0xc1: {  	_ =	task.clear_ibuf [dreg:s6], $0x2FFFF;
	_ =	strace $0x9FFFFFFF  }
0xc2: {  	(tm) =	ssettm $0x7FFFFFFF  }
0xc3: {  	_ =	shalt  }
tec
execute0_lowered:
.L_overlay_start_1:
0x0: {  	(tag) =	ssettag $0x1  }
0x1: {  	s6 =	rddreg [dreg:$0x0]  }
0x2: {  	s2 =	rddreg [dreg:$0x1];
	s1 =	stileid.u32  }
0x3: {  	s0 =	rddreg [dreg:$0x2];
	s3 =	simm.s32 $0x0;
	s7 =	smul.u32 $0x9E0, s1  }
0x4: {  	s4 =	srdreg.scid;
	s18 =	simm.s32 $0x200;
	s8 =	smul.u32 $0x14000, s1  }
0x5: {  	s19 =	simm.s32 $0x4200;
	s20 =	simm.s32 $0x1;
	s23 =	smul.u32 $0x50000, s1  }
0x6: {  	[smem:$0x7FF] =	sst s3;
	s9 =	sand.u32 $0x1, s4;
	s13 =	smul.u32 $0x4F00, s1  }
0x7: {  	s4 =	sadd.s32 $0x5EE00, s6;
	s5 =	sadd.s32 $0x19400, s6;
	s26 =	smul.u32 $0x9E00, s1  }
0x8: {  	s29 =	sshll.u32 s1, $0x6;
	_ =	strace $0x8000004D;
	s10 =	smul.u32 $0x140000, s9  }
0x9: {  	s22 =	ssub.s32 $0x2, s9;
	s11 =	sshrl.u32 s8, $0x3;
	s14 =	sadd.s32 s7, s6  }
0xa: {  	s24 =	sshrl.u32 s22, $0x1;
	s25 =	sshrl.u32 s23, $0x2;
	s28 =	sshll.u32 s13, $0x1  }
0xb: {  	s23 =	simm.s32 $0x180;
	s21 =	sadd.s32 s11, s6;
	s8 =	sadd.s32 s8, s10  }
0xc: {  	s15 =	ssub.s32 s22, s24;
	s16 =	sadd.s32 s25, s2;
	s11 =	sadd.s32 $0x180, s13  }
0xd: {  	s14 =	sadd.s32 $0x2D000, s14;
	s22 =	simm.s32 $0x2;
	s24 =	simm.s32 $0x0  }
0xe: {  	s8 =	sshrl.u32 s8, $0x3;
	s7 =	sadd.s32 $0x36E00, s21;
	s13 =	smax.u32 s15, $0x1  }
0xf: {  	s15 =	sshrl.u32 s16, $0x3;
	s12 =	sadd.s32 s8, s6;
	s6 =	sshll.u32 s9, $0x7  }
0x10: {  	s16 =	simm.s32 $0x3;
	s21 =	simm.s32 $0x100;
	s9 =	sor.u32 s6, s28  }
0x11: {  	s8 =	sor.u32 s6, s26;
	s12 =	sadd.s32 $0xAD000, s12;
	s17 =	sor.u32 $0x100, s9  }
0x12: {  	s30 =	sshrl.u32 s8, $0x3;
	s8 =	sor.u32 $0x1C03, s29;
	s31 =	sshrl.u32 s17, $0x3  }
0x13: {  	s9 =	sadd.s32 s5, s30;
	s17 =	simm.s32 $0x80;
	s10 =	sadd.s32 s5, s31  }
.LBB2_1:
0x14: {  	[spmem:s15], [sflag:s8] =	dma.local [hbm:s7], $0x2800  }
0x15: {  	_ =	swait.ge [sflag:s16], $0x2800  }
0x16: {  	[sflag:s16] =	ssyncset.done $0x0  }
0x17: {  	[sflag:s16] =	ssyncadd.s32 $0xFFFFD800  }
0x18: {  	[bflag:$0x0] =	sbarrier.arrive $0xFFFF  }
0x19: {  	[tilespmem:s3], [sflag:$0x3] =	stream.linear.gather [hbm4b:s9+s3], $0x80, $0x38;
	[tilespmem:$0x1C200] =	vst v63  }
0x1a: {  	_ =	swait.ge [sflag:s16], $0x80  }
0x1b: {  	[sflag:s16] =	ssyncset.done $0x0  }
0x1c: {  	[sflag:s16] =	ssyncadd.s32 $0xFFFFFF80  }
0x1d: {  	[tilespmem:s18], [sflag:$0x1] =	stream.indirect.gather [hbm4b:s4+s17], $0x80, s3, s17, $0xb8;
	[tilespmem:$0x1C200] =	vst v63  }
0x1e: {  	_ = 	snop  }
0x1f: {  	[tilespmem:s17], [sflag:$0x3] =	stream.linear.gather [hbm4b:s10+s3], $0x80, $0x38;
	[tilespmem:$0x1C200] =	vst v63  }
0x20: {  	_ =	swait.ge [sflag:s16], $0x80  }
0x21: {  	[sflag:s16] =	ssyncset.done $0x0  }
0x22: {  	[sflag:s16] =	ssyncadd.s32 $0xFFFFFF80  }
0x23: {  	[tilespmem:s19], [sflag:$0x2] =	stream.indirect.gather [hbm4b:s4+s17], $0x80, s17, s17, $0xb8;
	[tilespmem:$0x1C200] =	vst v63  }
0x24: {  	_ =	swait.ge [sflag:s20], $0x4000  }
0x25: {  	[sflag:s20] =	ssyncset.done $0x0  }
0x26: {  	s25 =	sadd.s32 $0x0, s14;
	s26 =	sadd.s32 $0xFFFFFF80, s11;
	[sflag:s20] =	ssyncadd.s32 $0xFFFFC000  }
0x27: {  	[tilespmem:s21], [sflag:$0x3] =	stream.linear.gather [hbm4b:s25+s3], $0x80, $0x38;
	[tilespmem:$0x1C200] =	vst v63  }
0x28: {  	p0 =	slt.s32 s26, $0x4EF80;
	_ =	swait.ge [sflag:s16], $0x80  }
0x29: {  	s26 =	simm.s32 @!p0 $0x4EF80;
	[sflag:s16] =	ssyncset.done $0x0  }
0x2a: {  	s26 =	sshll.u32 s26, $0x1;
	[sflag:s16] =	ssyncadd.s32 $0xFFFFFF80  }
0x2b: {  	[spmem:s2] =	stream.indirect.scatter.add.f32 [tilespmem:s18], [sflag:$0x3], $0x80, s21, s17, $0xb8;
	[tilespmem:$0x1C200] =	vst v63  }
0x2c: {  	s26 =	sor.u32 s6, s26;
	_ =	swait.ge [sflag:s16], $0x4000  }
0x2d: {  	s26 =	sshrl.u32 s26, $0x3;
	[sflag:s16] =	ssyncset.done $0x0  }
0x2e: {  	s26 =	sadd.s32 s5, s26;
	[sflag:s16] =	ssyncadd.s32 $0xFFFFC000  }
0x2f: {  	[tilespmem:s3], [sflag:$0x3] =	stream.linear.gather [hbm4b:s26+s3], $0x80, $0x38;
	[tilespmem:$0x1C200] =	vst v63  }
0x30: {  	_ =	swait.ge [sflag:s16], $0x80  }
0x31: {  	[sflag:s16] =	ssyncset.done $0x0  }
0x32: {  	[sflag:s16] =	ssyncadd.s32 $0xFFFFFF80  }
0x33: {  	[tilespmem:s18], [sflag:$0x1] =	stream.indirect.gather [hbm4b:s4+s17], $0x80, s3, s17, $0xb8;
	[tilespmem:$0x1C200] =	vst v63  }
0x34: {  	_ =	swait.ge [sflag:s22], $0x4000  }
0x35: {  	[sflag:s22] =	ssyncset.done $0x0  }
0x36: {  	s25 =	sadd.s32 $0x10, s25;
	[sflag:s22] =	ssyncadd.s32 $0xFFFFC000  }
0x37: {  	[tilespmem:s23], [sflag:$0x3] =	stream.linear.gather [hbm4b:s25+s3], $0x80, $0x38;
	[tilespmem:$0x1C200] =	vst v63  }
0x38: {  	p0 =	slt.s32 s11, $0x4EF80;
	s25 =	smov.u32 s11;
	_ =	swait.ge [sflag:s16], $0x80  }
0x39: {  	s25 =	simm.s32 @!p0 $0x4EF80;
	[sflag:s16] =	ssyncset.done $0x0  }
0x3a: {  	s25 =	sshll.u32 s25, $0x1;
	[sflag:s16] =	ssyncadd.s32 $0xFFFFFF80  }
0x3b: {  	[spmem:s2] =	stream.indirect.scatter.add.f32 [tilespmem:s19], [sflag:$0x3], $0x80, s23, s17, $0xb8;
	[tilespmem:$0x1C200] =	vst v63  }
0x3c: {  	s25 =	sor.u32 s6, s25;
	_ =	swait.ge [sflag:s16], $0x4000  }
0x3d: {  	s25 =	sshrl.u32 s25, $0x3;
	[sflag:s16] =	ssyncset.done $0x0  }
0x3e: {  	s25 =	sadd.s32 s5, s25;
	[sflag:s16] =	ssyncadd.s32 $0xFFFFC000  }
0x3f: {  	[tilespmem:s17], [sflag:$0x3] =	stream.linear.gather [hbm4b:s25+s3], $0x80, $0x38;
	[tilespmem:$0x1C200] =	vst v63  }
0x40: {  	_ =	swait.ge [sflag:s16], $0x80  }
0x41: {  	s26 =	smov.u32 s11;
	s25 =	simm.s32 $0x20;
	[sflag:s16] =	ssyncset.done $0x0  }
.LBB2_2:
0x42: {  	p0 =	sne.s32 s25, $0x9C0;
	[sflag:s16] =	ssyncadd.s32 $0xFFFFFF80;
	s26 =	sadd.s32 $0x100, s26  }
0x43: {  	[tilespmem:s19], [sflag:$0x2] =	stream.indirect.gather [hbm4b:s4+s17], $0x80, s17, s17, $0xb8;
	[tilespmem:$0x1C200] =	vst v63  }
0x44: {  	s28 =	smov.u32 s25;
	s25 =	sadd.s32 $0x20, s25;
	_ =	swait.ge [sflag:s20], $0x4000  }
0x45: {  	s28 =	sadd.s32 s28, s14;
	[sflag:s20] =	ssyncset.done $0x0  }
0x46: {  	s29 =	sadd.s32 $0xFFFFFF80, s26;
	[sflag:s20] =	ssyncadd.s32 $0xFFFFC000  }
0x47: {  	[tilespmem:s21], [sflag:$0x3] =	stream.linear.gather [hbm4b:s28+s3], $0x80, $0x38;
	[tilespmem:$0x1C200] =	vst v63  }
0x48: {  	p1 =	slt.s32 s29, $0x4EF80;
	_ =	swait.ge [sflag:s16], $0x80  }
0x49: {  	s29 =	simm.s32 @!p1 $0x4EF80;
	[sflag:s16] =	ssyncset.done $0x0  }
0x4a: {  	s29 =	sshll.u32 s29, $0x1;
	[sflag:s16] =	ssyncadd.s32 $0xFFFFFF80  }
0x4b: {  	[spmem:s2] =	stream.indirect.scatter.add.f32 [tilespmem:s18], [sflag:$0x3], $0x80, s21, s17, $0xb8;
	[tilespmem:$0x1C200] =	vst v63  }
0x4c: {  	s29 =	sor.u32 s6, s29;
	_ =	swait.ge [sflag:s16], $0x4000  }
0x4d: {  	s29 =	sshrl.u32 s29, $0x3;
	[sflag:s16] =	ssyncset.done $0x0  }
0x4e: {  	s29 =	sadd.s32 s5, s29;
	[sflag:s16] =	ssyncadd.s32 $0xFFFFC000  }
0x4f: {  	[tilespmem:s3], [sflag:$0x3] =	stream.linear.gather [hbm4b:s29+s3], $0x80, $0x38;
	[tilespmem:$0x1C200] =	vst v63  }
0x50: {  	_ =	swait.ge [sflag:s16], $0x80  }
0x51: {  	[sflag:s16] =	ssyncset.done $0x0  }
0x52: {  	[sflag:s16] =	ssyncadd.s32 $0xFFFFFF80  }
0x53: {  	[tilespmem:s18], [sflag:$0x1] =	stream.indirect.gather [hbm4b:s4+s17], $0x80, s3, s17, $0xb8;
	[tilespmem:$0x1C200] =	vst v63  }
0x54: {  	_ =	swait.ge [sflag:s22], $0x4000  }
0x55: {  	s28 =	sadd.s32 $0x10, s28;
	[sflag:s22] =	ssyncset.done $0x0  }
0x56: {  	[sflag:s22] =	ssyncadd.s32 $0xFFFFC000  }
0x57: {  	[tilespmem:s23], [sflag:$0x3] =	stream.linear.gather [hbm4b:s28+s3], $0x80, $0x38;
	[tilespmem:$0x1C200] =	vst v63  }
0x58: {  	p1 =	slt.s32 s26, $0x4EF80;
	s28 =	smov.u32 s26;
	_ =	swait.ge [sflag:s16], $0x80  }
0x59: {  	s28 =	simm.s32 @!p1 $0x4EF80;
	[sflag:s16] =	ssyncset.done $0x0  }
0x5a: {  	s28 =	sshll.u32 s28, $0x1;
	[sflag:s16] =	ssyncadd.s32 $0xFFFFFF80  }
0x5b: {  	[spmem:s2] =	stream.indirect.scatter.add.f32 [tilespmem:s19], [sflag:$0x3], $0x80, s23, s17, $0xb8;
	[tilespmem:$0x1C200] =	vst v63  }
0x5c: {  	s28 =	sor.u32 s6, s28;
	_ =	swait.ge [sflag:s16], $0x4000  }
.Ltmp0:
0x5d: {  	s28 =	sshrl.u32 s28, $0x3;
	[sflag:s16] =	ssyncset.done $0x0;
	(pc) =	sbr.rel @p0 .LBB2_2-.Ltmp0, $4  }
0x5e: {  	s28 =	sadd.s32 s5, s28;
	[sflag:s16] =	ssyncadd.s32 $0xFFFFC000  }
0x5f: {  	[tilespmem:s17], [sflag:$0x3] =	stream.linear.gather [hbm4b:s28+s3], $0x80, $0x38;
	[tilespmem:$0x1C200] =	vst v63  }
0x60: {  	_ =	swait.ge [sflag:s16], $0x80  }
0x61: {  	[sflag:s16] =	ssyncset.done $0x0  }
0x62: {  	[sflag:s16] =	ssyncadd.s32 $0xFFFFFF80  }
0x63: {  	[tilespmem:s19], [sflag:$0x2] =	stream.indirect.gather [hbm4b:s4+s17], $0x80, s17, s17, $0xb8;
	[tilespmem:$0x1C200] =	vst v63  }
0x64: {  	_ =	swait.ge [sflag:s20], $0x4000  }
0x65: {  	[sflag:s20] =	ssyncset.done $0x0  }
0x66: {  	[sflag:s20] =	ssyncadd.s32 $0xFFFFC000  }
0x67: {  	_ =	swait.ge [sflag:s22], $0x4000  }
0x68: {  	s24 =	sadd.s32 $0x1, s24;
	[sflag:s22] =	ssyncset.done $0x0  }
0x69: {  	p0 =	sne.s32 s24, s13;
	[sflag:s22] =	ssyncadd.s32 $0xFFFFC000  }
.Ltmp1:
0x6a: {  	[bflag:$0x0] =	sbarrier.arrive $0xFFFF;
	(pc) =	sbr.rel @p0 .LBB2_1-.Ltmp1, $4  }
0x6b: {  	[hbm:s12], [sflag:s8] =	dma.local [spmem:s15], $0x2800  }
0x6c: {  	_ =	swait.ge [sflag:s16], $0x2800  }
0x6d: {  	[sflag:s16] =	ssyncset.done $0x0  }
0x6e: {  	[sflag:s16] =	ssyncadd.s32 $0xFFFFD800  }
0x6f: {  	_ =	sfence.sel $0x180000  }
0x70: {  	[bflag:$0x0] =	sbarrier.arrive $0xFFFF  }
0x71: {  	p0 =	sne.s32 s1, $0x0;
	_ =	strace $0x9000004D  }
0x72: {  	s0 =	sadd.s32 @!p0 $0x100000, s0;
	[bflag:$0x2] =	sbarrier.arrive $0xFFFF  }
0x73: {  	[sflag:s0] =	ssyncadd.tile.s32 @!p0 $0x1;
	_ =	shalt  }
.Lfunc_end2:
_tile_overlayer_lowered:
.L_overlay_start_2:
0x74: {  	(tag) =	ssettag $0x2  }
0x75: {  	s0 =	rddreg [dreg:$0x0];
	s2 =	stileid.u32  }
0x76: {  	s1 =	rddreg [dreg:$0x1];
	p0 =	sne.s32 s2, $0x0  }
0x77: {  	s3 =	rddreg [dreg:$0x2];
	[bflag:$0x3] =	sbarrier.arrive $0xFFFF;
	s2 =	simm.s32 @!p0 $0x1C03  }
0x78: {  	[timem:s3], [sflag:s2] =	dma.local @!p0 [hbm:s0], s1  }
0x79: {  	s0 =	simm.s32 @!p0 $0x3  }
0x7a: {  	_ =	swait.ge @!p0 [sflag:s0], s1  }
0x7b: {  	s1 =	ssub.s32 @!p0 $0x0, s1;
	[sflag:s0] =	ssyncset.done @!p0 $0x0  }
0x7c: {  	[sflag:s0] =	ssyncadd.s32 @!p0 s1  }
0x7d: {  	[bflag:$0x3] =	sbarrier.arrive $0xFFFF  }
0x7e: {  	_ =	shalt  }

</sc_bundles>
